<compile_context>
chip_gen: v7x
topology: tpu7x:2x2x1
jax: 0.10.2.dev20260603
libtpu: 0.0.44.dev20260713+nightly
codegen_flags: <defaults>
</compile_context>

<pallas_src>
import dataclasses
import functools

import jax
import jax.numpy as jnp
from jax import lax
from jax.experimental import pallas as pl
from jax.experimental.pallas import tpu as pltpu
from jax.experimental.pallas import tpu_sc as plsc

NC = 2
NS = 16
NW = NC * NS
NBUF = 3


def _mesh():
    return plsc.VectorSubcoreMesh(core_axis_name="c", subcore_axis_name="s")


def _sc_params():
    cp = pltpu.CompilerParams()
    if "needs_layout_passes" in pltpu.CompilerParams.__dataclass_fields__:
        cp = dataclasses.replace(cp, needs_layout_passes=False)
    return cp


def _degrees(src, dst, n):
    e = src.shape[0]
    assert e % NW == 0
    ew = e // NW
    assert ew % 16 == 0 and n % 16 == 0

    @functools.partial(
        pl.kernel,
        out_type=(jax.ShapeDtypeStruct((NW, n), jnp.float32),
                  jax.ShapeDtypeStruct((NW, n), jnp.float32)),
        mesh=_mesh(),
        compiler_params=_sc_params(),
        scratch_types=[
            pltpu.VMEM((ew,), jnp.int32),
            pltpu.VMEM((ew,), jnp.int32),
            pltpu.VMEM((n,), jnp.float32),
            pltpu.VMEM((n,), jnp.float32),
            pltpu.SemaphoreType.DMA,
        ],
    )
    def deg_kernel(src_hbm, dst_hbm, od_hbm, id_hbm, src_v, dst_v, od_v, id_v,
                   sem):
        cid = lax.axis_index("c")
        sid = lax.axis_index("s")
        wid = cid * NS + sid
        base = wid * ew
        pltpu.async_copy(src_hbm.at[pl.ds(base, ew)], src_v, sem).wait()
        pltpu.async_copy(dst_hbm.at[pl.ds(base, ew)], dst_v, sem).wait()

        zero16 = jnp.zeros((16,), jnp.float32)

        @pl.loop(0, n, step=16)
        def _(i):
            od_v[pl.ds(i, 16)] = zero16
            id_v[pl.ds(i, 16)] = zero16

        ones16 = jnp.ones((16,), jnp.float32)

        @pl.loop(0, ew, step=16)
        def _(i):
            s = src_v[pl.ds(i, 16)]
            plsc.addupdate_scatter(od_v, [s], ones16)
            d = dst_v[pl.ds(i, 16)]
            plsc.addupdate_scatter(id_v, [d], ones16)

        pltpu.async_copy(od_v, od_hbm.at[wid], sem).wait()
        pltpu.async_copy(id_v, id_hbm.at[wid], sem).wait()

    return deg_kernel(src, dst)


def _matmul_scale(x, w, odp):
    n, d_in = x.shape
    d_out = w.shape[0]
    bn = 2000
    assert n % bn == 0

    def body(x_ref, w_ref, od_ref, xw_ref, xs_ref):
        mm = lax.dot_general(
            x_ref[...], w_ref[...],
            dimension_numbers=(((1,), (1,)), ((), ())),
            preferred_element_type=jnp.float32)
        od = jnp.sum(od_ref[...], axis=1, keepdims=True)
        ci = lax.rsqrt(jnp.maximum(od, 1.0))
        xw_ref[...] = mm
        xs_ref[...] = mm * ci

    return pl.pallas_call(
        body,
        grid=(n // bn,),
        in_specs=[pl.BlockSpec((bn, d_in), lambda i: (i, 0)),
                  pl.BlockSpec((d_out, d_in), lambda i: (0, 0)),
                  pl.BlockSpec((bn, NW), lambda i: (i, 0))],
        out_specs=[pl.BlockSpec((bn, d_out), lambda i: (i, 0)),
                   pl.BlockSpec((bn, d_out), lambda i: (i, 0))],
        out_shape=[jax.ShapeDtypeStruct((n, d_out), jnp.float32),
                   jax.ShapeDtypeStruct((n, d_out), jnp.float32)],
    )(x, w, odp)


def _aggregate(xs, src, dst, z):
    n, d = xs.shape
    e = src.shape[0]
    ew = e // NW
    budget_words = 2_000_000 - n * d
    ch = None
    for cand in range(128, 0, -8):
        ncand = ew // cand
        t = ew - ncand * cand
        scratch_words = NS * NBUF * (cand * d + 2 * cand + 64)
        if (ncand >= NBUF and ncand % NBUF == 0 and t <= 128 and t % 8 == 0
                and scratch_words <= budget_words):
            ch = cand
            break
    assert ch is not None
    nch = ew // ch
    tail = ew - nch * ch
    rps = (n // NS) // 8 * 8
    rtail = n - rps * NS
    assert rtail % 8 == 0

    scratch = [pltpu.VMEM_SHARED((n, d), jnp.float32)]
    for _ in range(NBUF):
        scratch += [pltpu.VMEM((ch,), jnp.int32), pltpu.VMEM((ch,), jnp.int32),
                    pltpu.VMEM((ch, d), jnp.float32)]
    scratch += [pltpu.SemaphoreType.DMA] * (3 * NBUF)
    if tail:
        scratch += [
            pltpu.VMEM((tail,), jnp.int32),
            pltpu.VMEM((tail,), jnp.int32),
            pltpu.VMEM((tail, d), jnp.float32),
        ]

    @functools.partial(
        pl.kernel,
        out_type=jax.ShapeDtypeStruct((NC, n, d), jnp.float32),
        mesh=_mesh(),
        compiler_params=_sc_params(),
        scratch_types=scratch,
    )
    def agg_kernel(xs_hbm, src_hbm, dst_hbm, z_hbm, out_hbm, agg_sh,
                   src_a, dst_a, rows_a, src_b, dst_b, rows_b,
                   src_c, dst_c, rows_c,
                   sem_ga, sem_gb, sem_gc, sem_ia, sem_ib, sem_ic,
                   sem_sa, sem_sb, sem_sc, *tl):
        cid = lax.axis_index("c")
        sid = lax.axis_index("s")
        wid = cid * NS + sid
        base = wid * ew

        def idx_start(i, src_v, dst_v, sem):
            off = base + i * ch
            pltpu.make_async_copy(src_hbm.at[pl.ds(off, ch)], src_v, sem).start()
            pltpu.make_async_copy(dst_hbm.at[pl.ds(off, ch)], dst_v, sem).start()

        def idx_wait(src_v, dst_v, sem):
            pltpu.make_async_copy(src_hbm.at[pl.ds(0, ch)], src_v, sem).wait()
            pltpu.make_async_copy(dst_hbm.at[pl.ds(0, ch)], dst_v, sem).wait()

        def gather_start(src_v, rows_v, sem):
            pltpu.make_async_copy(xs_hbm.at[src_v], rows_v, sem).start()

        def gather_wait(src_v, rows_v, sem):
            pltpu.make_async_copy(xs_hbm.at[src_v], rows_v, sem).wait()

        def scatter_start(rows_v, dst_v, sem):
            pltpu.make_async_copy(rows_v, agg_sh.at[dst_v], sem).start(add=True)

        def scatter_wait(rows_v, dst_v, sem):
            pltpu.make_async_copy(rows_v, agg_sh.at[dst_v], sem).wait()

        pltpu.sync_copy(z_hbm.at[pl.ds(0, rps)], agg_sh.at[pl.ds(sid * rps, rps)])
        if rtail:
            @pl.when(sid == 0)
            def _():
                pltpu.sync_copy(z_hbm.at[pl.ds(0, rtail)],
                                agg_sh.at[pl.ds(rps * NS, rtail)])
        plsc.subcore_barrier()

        idx_start(0, src_a, dst_a, sem_ia)
        idx_start(1, src_b, dst_b, sem_ib)
        idx_wait(src_a, dst_a, sem_ia)
        gather_start(src_a, rows_a, sem_ga)
        idx_wait(src_b, dst_b, sem_ib)
        gather_start(src_b, rows_b, sem_gb)
        idx_start(2, src_c, dst_c, sem_ic)

        @pl.loop(0, nch, step=3)
        def _(g):
            gather_wait(src_a, rows_a, sem_ga)
            scatter_start(rows_a, dst_a, sem_sa)
            idx_wait(src_c, dst_c, sem_ic)
            gather_start(src_c, rows_c, sem_gc)

            gather_wait(src_b, rows_b, sem_gb)
            scatter_start(rows_b, dst_b, sem_sb)

            scatter_wait(rows_a, dst_a, sem_sa)

            @pl.when(g + 3 < nch)
            def _():
                idx_start(g + 3, src_a, dst_a, sem_ia)

            gather_wait(src_c, rows_c, sem_gc)
            scatter_start(rows_c, dst_c, sem_sc)

            @pl.when(g + 3 < nch)
            def _():
                idx_wait(src_a, dst_a, sem_ia)
                gather_start(src_a, rows_a, sem_ga)

            scatter_wait(rows_b, dst_b, sem_sb)

            @pl.when(g + 4 < nch)
            def _():
                idx_start(g + 4, src_b, dst_b, sem_ib)
                idx_wait(src_b, dst_b, sem_ib)
                gather_start(src_b, rows_b, sem_gb)

            scatter_wait(rows_c, dst_c, sem_sc)

            @pl.when(g + 5 < nch)
            def _():
                idx_start(g + 5, src_c, dst_c, sem_ic)

        if tail:
            src_t, dst_t, rows_t = tl
            off = base + nch * ch
            pltpu.sync_copy(src_hbm.at[pl.ds(off, tail)], src_t)
            pltpu.sync_copy(dst_hbm.at[pl.ds(off, tail)], dst_t)
            pltpu.async_copy(xs_hbm.at[src_t], rows_t, sem_ga).wait()
            pltpu.sync_copy(rows_t, agg_sh.at[dst_t], add=True)

        plsc.subcore_barrier()
        pltpu.sync_copy(agg_sh.at[pl.ds(sid * rps, rps)],
                        out_hbm.at[cid].at[pl.ds(sid * rps, rps)])
        if rtail:
            @pl.when(sid == 0)
            def _():
                pltpu.sync_copy(agg_sh.at[pl.ds(rps * NS, rtail)],
                                out_hbm.at[cid].at[pl.ds(rps * NS, rtail)])

    return agg_kernel(xs, src, dst, z)


def _combine(aggp, xw, idp, b2):
    n, d = xw.shape
    bn = 2000
    assert n % bn == 0

    def body(agg_ref, xw_ref, id_ref, b_ref, o_ref):
        s = agg_ref[0] + agg_ref[1]
        ind = jnp.sum(id_ref[...], axis=1, keepdims=True)
        cj = lax.rsqrt(jnp.maximum(ind, 1.0))
        keep = jnp.where(ind > 0.0, 0.0, xw_ref[...])
        o_ref[...] = jnp.maximum(s * cj + keep + b_ref[...], 0.0)

    return pl.pallas_call(
        body,
        grid=(n // bn,),
        in_specs=[pl.BlockSpec((NC, bn, d), lambda i: (0, i, 0)),
                  pl.BlockSpec((bn, d), lambda i: (i, 0)),
                  pl.BlockSpec((bn, NW), lambda i: (i, 0)),
                  pl.BlockSpec((1, d), lambda i: (0, 0))],
        out_specs=pl.BlockSpec((bn, d), lambda i: (i, 0)),
        out_shape=jax.ShapeDtypeStruct((n, d), jnp.float32),
    )(aggp, xw, idp, b2)


def kernel(x, edge_index, W, b):
    n, d_in = x.shape
    d_out = W.shape[0]
    ei = edge_index.astype(jnp.int32)
    src = ei[0]
    dst = ei[1]

    odp, idp = _degrees(src, dst, n)
    xw, xs = _matmul_scale(x, W, odp.T)
    z = jnp.zeros((n // NS, d_out), jnp.float32)
    aggp = _aggregate(xs, src, dst, z)
    return _combine(aggp, xw, idp.T, b.reshape(1, d_out))

# --- scband reference (transcript-rebuilt; emitter-appended) ---
"""Pipeline reference for scband-gcnlayer-7988639171161 (READ-ONLY COPY).

The authoritative reference and input builder live on the scoring server;
editing this copy changes nothing except your own understanding.
"""

import jax, jax.numpy as jnp
import numpy as np

N = 10000
E = 320000
D_IN = 128
D_OUT = 128


def setup_inputs(seed: int = 0) -> dict:
    key = jax.random.key(seed)
    k1, k2, k3 = jax.random.split(key, 3)
    x = jax.random.normal(k1, (N, D_IN), dtype=jnp.float32)
    edge_index = jax.random.randint(k2, (2, E), 0, N, dtype=jnp.int32)
    # nn.Linear weight [out, in], xavier_normal init; bias zeros
    std = (2.0 / (D_IN + D_OUT)) ** 0.5
    W = jax.random.normal(k3, (D_OUT, D_IN), dtype=jnp.float32) * std
    b = jnp.zeros((D_OUT,), dtype=jnp.float32)
    return {"x": x, "edge_index": edge_index, "W": W, "b": b}


def reference(x, edge_index, W, b):
    # DGL GCNLayer.forward: ci = 1/sqrt(out_deg(src)), cj = 1/sqrt(in_deg(dst));
    # h_v = (sum_{u->v} x_u * ci_u) * cj_v for nodes with incoming edges,
    # nodes with no mail keep h = features (DGL update_all semantics);
    # then relu(Linear(h)). Dropout is defined but never applied in forward.
    src = edge_index[0]
    dst = edge_index[1]
    n = x.shape[0]
    ones = jnp.ones((src.shape[0],), dtype=jnp.float32)
    out_deg = jnp.zeros((n,), dtype=jnp.float32).at[src].add(ones)
    in_deg = jnp.zeros((n,), dtype=jnp.float32).at[dst].add(ones)
    ci = 1.0 / jnp.sqrt(jnp.maximum(out_deg, 1.0))
    cj = 1.0 / jnp.sqrt(jnp.maximum(in_deg, 1.0))
    msg = x[src] * ci[src][:, None]
    agg = jnp.zeros_like(x).at[dst].add(msg)
    h = agg * cj[:, None]
    h = jnp.where((in_deg > 0)[:, None], h, x)
    out = h @ W.T + b
    return jax.nn.relu(out)

if __name__ == "__main__":
    import jax
    _d = setup_inputs()
    print(jax.jit(kernel)(*tuple(_d.values())))

</pallas_src>

<mosaic_0001>
#map = affine_map<(d0, d1) -> (0, 0)>
#map1 = affine_map<(d0, d1) -> (0)>
#map2 = affine_map<(d0, d1) -> (0, 0, 0)>
module attributes {stable_mosaic.version = 14 : i64} {
  func.func @agg_kernel(%arg0: i32, %arg1: i32, %arg2: memref<10000x128xf32, #tpu.memory_space<hbm>>, %arg3: memref<320000xi32, #tpu.memory_space<hbm>>, %arg4: memref<320000xi32, #tpu.memory_space<hbm>>, %arg5: memref<625x128xf32, #tpu.memory_space<hbm>>, %arg6: memref<2x10000x128xf32, #tpu.memory_space<hbm>>, %arg7: memref<10000x128xf32, #tpu.memory_space<vmem_shared>>, %arg8: memref<104xi32, #tpu.memory_space<vmem>>, %arg9: memref<104xi32, #tpu.memory_space<vmem>>, %arg10: memref<104x128xf32, #tpu.memory_space<vmem>>, %arg11: memref<104xi32, #tpu.memory_space<vmem>>, %arg12: memref<104xi32, #tpu.memory_space<vmem>>, %arg13: memref<104x128xf32, #tpu.memory_space<vmem>>, %arg14: memref<104xi32, #tpu.memory_space<vmem>>, %arg15: memref<104xi32, #tpu.memory_space<vmem>>, %arg16: memref<104x128xf32, #tpu.memory_space<vmem>>, %arg17: memref<!tpu.dma_semaphore, #tpu.memory_space<semaphore_mem>>, %arg18: memref<!tpu.dma_semaphore, #tpu.memory_space<semaphore_mem>>, %arg19: memref<!tpu.dma_semaphore, #tpu.memory_space<semaphore_mem>>, %arg20: memref<!tpu.dma_semaphore, #tpu.memory_space<semaphore_mem>>, %arg21: memref<!tpu.dma_semaphore, #tpu.memory_space<semaphore_mem>>, %arg22: memref<!tpu.dma_semaphore, #tpu.memory_space<semaphore_mem>>, %arg23: memref<!tpu.dma_semaphore, #tpu.memory_space<semaphore_mem>>, %arg24: memref<!tpu.dma_semaphore, #tpu.memory_space<semaphore_mem>>, %arg25: memref<!tpu.dma_semaphore, #tpu.memory_space<semaphore_mem>>, %arg26: memref<16xi32, #tpu.memory_space<vmem>>, %arg27: memref<16xi32, #tpu.memory_space<vmem>>, %arg28: memref<16x128xf32, #tpu.memory_space<vmem>>) attributes {dimension_semantics = [#tpu.dimension_semantics<core_parallel>, #tpu.dimension_semantics<subcore_parallel>], iteration_bounds = array<i64: 2, 16>, scalar_prefetch = 0 : i64, scratch_operands = 22 : i64, tpu.core_type = #tpu.core_type<sc_vector_subcore>, window_params = [{transform_indices = #map}, {transform_indices = #map1}, {transform_indices = #map1}, {transform_indices = #map}, {transform_indices = #map2}]} {
    %mul3A = arith.constant 16 : i32
    %mul3A_0 = arith.muli %arg0, %mul3A : i32
    %add3A = arith.addi %mul3A_0, %arg1 : i32
    %mul3A_1 = arith.constant 10000 : i32
    %mul3A_2 = arith.muli %add3A, %mul3A_1 : i32
    %mul3A_3 = arith.constant 624 : i32
    %mul3A_4 = arith.muli %arg1, %mul3A_3 : i32
    "tpu.region"() ({
      %run_scoped3A = tpu.sem_alloc : memref<!tpu.dma_semaphore, #tpu.memory_space<semaphore_mem>>
      %dma_start3A_67 = arith.constant 0 : i32
      %dma_start3A_68 = tpu.memref_slice %arg7[%mul3A_4, %dma_start3A_67] : memref<10000x128xf32, #tpu.memory_space<vmem_shared>> -> memref<624x128xf32, #tpu.memory_space<vmem_shared>>
      %dma_start3A_69 = arith.constant 0 : i32
      %dma_start3A_70 = arith.constant 0 : i32
      %dma_start3A_71 = tpu.memref_slice %arg5[%dma_start3A_69, %dma_start3A_70] : memref<625x128xf32, #tpu.memory_space<hbm>> -> memref<624x128xf32, #tpu.memory_space<hbm>>
      tpu.enqueue_dma source(%dma_start3A_71 : memref<624x128xf32, #tpu.memory_space<hbm>>) target(%dma_start3A_68 : memref<624x128xf32, #tpu.memory_space<vmem_shared>>) target_semaphore(%run_scoped3A : memref<!tpu.dma_semaphore, #tpu.memory_space<semaphore_mem>>)
      %dma_wait3A_72 = arith.constant 0 : i32
      %dma_wait3A_73 = tpu.memref_slice %arg7[%mul3A_4, %dma_wait3A_72] : memref<10000x128xf32, #tpu.memory_space<vmem_shared>> -> memref<624x128xf32, #tpu.memory_space<vmem_shared>>
      %dma_wait3A_74 = arith.constant 0 : i32
      %dma_wait3A_75 = arith.constant 0 : i32
      %dma_wait3A_76 = tpu.memref_slice %arg5[%dma_wait3A_74, %dma_wait3A_75] : memref<625x128xf32, #tpu.memory_space<hbm>> -> memref<624x128xf32, #tpu.memory_space<hbm>>
      tpu.wait_dma2 semaphore(%run_scoped3A : memref<!tpu.dma_semaphore, #tpu.memory_space<semaphore_mem>>) src(%dma_wait3A_76 : memref<624x128xf32, #tpu.memory_space<hbm>>) dst(%dma_wait3A_73 : memref<624x128xf32, #tpu.memory_space<vmem_shared>>)
      tpu.yield
    }) : () -> ()
    %eq3A = arith.constant 0 : i32
    %eq3A_5 = arith.cmpi eq, %arg1, %eq3A : i32
    %convert_element_type3A = arith.extui %eq3A_5 : i1 to i32
    %cond3A = arith.constant 0 : i32
    %cond3A_6 = arith.cmpi ne, %convert_element_type3A, %cond3A : i32
    scf.if %cond3A_6 {
      "tpu.region"() ({
        %run_scoped3A = tpu.sem_alloc : memref<!tpu.dma_semaphore, #tpu.memory_space<semaphore_mem>>
        %dma_start3A_67 = arith.constant 9984 : i32
        %dma_start3A_68 = arith.constant 0 : i32
        %dma_start3A_69 = tpu.memref_slice %arg7[%dma_start3A_67, %dma_start3A_68] : memref<10000x128xf32, #tpu.memory_space<vmem_shared>> -> memref<16x128xf32, #tpu.memory_space<vmem_shared>>
        %dma_start3A_70 = arith.constant 0 : i32
        %dma_start3A_71 = arith.constant 0 : i32
        %dma_start3A_72 = tpu.memref_slice %arg5[%dma_start3A_70, %dma_start3A_71] : memref<625x128xf32, #tpu.memory_space<hbm>> -> memref<16x128xf32, #tpu.memory_space<hbm>>
        tpu.enqueue_dma source(%dma_start3A_72 : memref<16x128xf32, #tpu.memory_space<hbm>>) target(%dma_start3A_69 : memref<16x128xf32, #tpu.memory_space<vmem_shared>>) target_semaphore(%run_scoped3A : memref<!tpu.dma_semaphore, #tpu.memory_space<semaphore_mem>>)
        %dma_wait3A_73 = arith.constant 9984 : i32
        %dma_wait3A_74 = arith.constant 0 : i32
        %dma_wait3A_75 = tpu.memref_slice %arg7[%dma_wait3A_73, %dma_wait3A_74] : memref<10000x128xf32, #tpu.memory_space<vmem_shared>> -> memref<16x128xf32, #tpu.memory_space<vmem_shared>>
        %dma_wait3A_76 = arith.constant 0 : i32
        %dma_wait3A_77 = arith.constant 0 : i32
        %dma_wait3A_78 = tpu.memref_slice %arg5[%dma_wait3A_76, %dma_wait3A_77] : memref<625x128xf32, #tpu.memory_space<hbm>> -> memref<16x128xf32, #tpu.memory_space<hbm>>
        tpu.wait_dma2 semaphore(%run_scoped3A : memref<!tpu.dma_semaphore, #tpu.memory_space<semaphore_mem>>) src(%dma_wait3A_78 : memref<16x128xf32, #tpu.memory_space<hbm>>) dst(%dma_wait3A_75 : memref<16x128xf32, #tpu.memory_space<vmem_shared>>)
        tpu.yield
      }) : () -> ()
    } else {
    }
    %barrier3A = arith.constant 0 : index
    tpu.barrier barrier_id(%barrier3A)
    %add3A_7 = arith.constant 0 : i32
    %add3A_8 = arith.addi %mul3A_2, %add3A_7 : i32
    %dma_start3A = tpu.memref_slice %arg3[%add3A_8] : memref<320000xi32, #tpu.memory_space<hbm>> -> memref<104xi32, #tpu.memory_space<hbm>>
    %dma_start3A_9 = tpu.memref_slice %arg3[%add3A_8] : memref<320000xi32, #tpu.memory_space<hbm>> -> memref<104xi32, #tpu.memory_space<hbm>>
    tpu.enqueue_dma source(%dma_start3A_9 : memref<104xi32, #tpu.memory_space<hbm>>) target(%arg8 : memref<104xi32, #tpu.memory_space<vmem>>) target_semaphore(%arg20 : memref<!tpu.dma_semaphore, #tpu.memory_space<semaphore_mem>>)
    %dma_start3A_10 = tpu.memref_slice %arg4[%add3A_8] : memref<320000xi32, #tpu.memory_space<hbm>> -> memref<104xi32, #tpu.memory_space<hbm>>
    %dma_start3A_11 = tpu.memref_slice %arg4[%add3A_8] : memref<320000xi32, #tpu.memory_space<hbm>> -> memref<104xi32, #tpu.memory_space<hbm>>
    tpu.enqueue_dma source(%dma_start3A_11 : memref<104xi32, #tpu.memory_space<hbm>>) target(%arg9 : memref<104xi32, #tpu.memory_space<vmem>>) target_semaphore(%arg20 : memref<!tpu.dma_semaphore, #tpu.memory_space<semaphore_mem>>)
    %add3A_12 = arith.constant 104 : i32
    %add3A_13 = arith.addi %mul3A_2, %add3A_12 : i32
    %dma_start3A_14 = tpu.memref_slice %arg3[%add3A_13] : memref<320000xi32, #tpu.memory_space<hbm>> -> memref<104xi32, #tpu.memory_space<hbm>>
    %dma_start3A_15 = tpu.memref_slice %arg3[%add3A_13] : memref<320000xi32, #tpu.memory_space<hbm>> -> memref<104xi32, #tpu.memory_space<hbm>>
    tpu.enqueue_dma source(%dma_start3A_15 : memref<104xi32, #tpu.memory_space<hbm>>) target(%arg11 : memref<104xi32, #tpu.memory_space<vmem>>) target_semaphore(%arg21 : memref<!tpu.dma_semaphore, #tpu.memory_space<semaphore_mem>>)
    %dma_start3A_16 = tpu.memref_slice %arg4[%add3A_13] : memref<320000xi32, #tpu.memory_space<hbm>> -> memref<104xi32, #tpu.memory_space<hbm>>
    %dma_start3A_17 = tpu.memref_slice %arg4[%add3A_13] : memref<320000xi32, #tpu.memory_space<hbm>> -> memref<104xi32, #tpu.memory_space<hbm>>
    tpu.enqueue_dma source(%dma_start3A_17 : memref<104xi32, #tpu.memory_space<hbm>>) target(%arg12 : memref<104xi32, #tpu.memory_space<vmem>>) target_semaphore(%arg21 : memref<!tpu.dma_semaphore, #tpu.memory_space<semaphore_mem>>)
    %dma_wait3A = arith.constant 0 : i32
    %dma_wait3A_18 = tpu.memref_slice %arg3[%dma_wait3A] : memref<320000xi32, #tpu.memory_space<hbm>> -> memref<104xi32, #tpu.memory_space<hbm>>
    %dma_wait3A_19 = arith.constant 0 : i32
    %dma_wait3A_20 = tpu.memref_slice %arg3[%dma_wait3A_19] : memref<320000xi32, #tpu.memory_space<hbm>> -> memref<104xi32, #tpu.memory_space<hbm>>
    tpu.wait_dma2 semaphore(%arg20 : memref<!tpu.dma_semaphore, #tpu.memory_space<semaphore_mem>>) src(%dma_wait3A_20 : memref<104xi32, #tpu.memory_space<hbm>>) dst(%arg8 : memref<104xi32, #tpu.memory_space<vmem>>)
    %dma_wait3A_21 = arith.constant 0 : i32
    %dma_wait3A_22 = tpu.memref_slice %arg4[%dma_wait3A_21] : memref<320000xi32, #tpu.memory_space<hbm>> -> memref<104xi32, #tpu.memory_space<hbm>>
    %dma_wait3A_23 = arith.constant 0 : i32
    %dma_wait3A_24 = tpu.memref_slice %arg4[%dma_wait3A_23] : memref<320000xi32, #tpu.memory_space<hbm>> -> memref<104xi32, #tpu.memory_space<hbm>>
    tpu.wait_dma2 semaphore(%arg20 : memref<!tpu.dma_semaphore, #tpu.memory_space<semaphore_mem>>) src(%dma_wait3A_24 : memref<104xi32, #tpu.memory_space<hbm>>) dst(%arg9 : memref<104xi32, #tpu.memory_space<vmem>>)
    %dma_start3A_25 = arith.constant 0 : i32
    %dma_start3A_26 = arith.constant 0 : i32
    %dma_start3A_27 = tpu.memref_slice %arg2[%dma_start3A_25, %dma_start3A_26] : memref<10000x128xf32, #tpu.memory_space<hbm>> -> memref<10000x128xf32, #tpu.memory_space<hbm>>
    tpu.enqueue_indirect_dma source(%dma_start3A_27 : memref<10000x128xf32, #tpu.memory_space<hbm>>) target(%arg10 : memref<104x128xf32, #tpu.memory_space<vmem>>) offsets(%arg8 : memref<104xi32, #tpu.memory_space<vmem>>) semaphore(%arg17 : memref<!tpu.dma_semaphore, #tpu.memory_space<semaphore_mem>>)
    %dma_wait3A_28 = arith.constant 0 : i32
    %dma_wait3A_29 = tpu.memref_slice %arg3[%dma_wait3A_28] : memref<320000xi32, #tpu.memory_space<hbm>> -> memref<104xi32, #tpu.memory_space<hbm>>
    %dma_wait3A_30 = arith.constant 0 : i32
    %dma_wait3A_31 = tpu.memref_slice %arg3[%dma_wait3A_30] : memref<320000xi32, #tpu.memory_space<hbm>> -> memref<104xi32, #tpu.memory_space<hbm>>
    tpu.wait_dma2 semaphore(%arg21 : memref<!tpu.dma_semaphore, #tpu.memory_space<semaphore_mem>>) src(%dma_wait3A_31 : memref<104xi32, #tpu.memory_space<hbm>>) dst(%arg11 : memref<104xi32, #tpu.memory_space<vmem>>)
    %dma_wait3A_32 = arith.constant 0 : i32
    %dma_wait3A_33 = tpu.memref_slice %arg4[%dma_wait3A_32] : memref<320000xi32, #tpu.memory_space<hbm>> -> memref<104xi32, #tpu.memory_space<hbm>>
    %dma_wait3A_34 = arith.constant 0 : i32
    %dma_wait3A_35 = tpu.memref_slice %arg4[%dma_wait3A_34] : memref<320000xi32, #tpu.memory_space<hbm>> -> memref<104xi32, #tpu.memory_space<hbm>>
    tpu.wait_dma2 semaphore(%arg21 : memref<!tpu.dma_semaphore, #tpu.memory_space<semaphore_mem>>) src(%dma_wait3A_35 : memref<104xi32, #tpu.memory_space<hbm>>) dst(%arg12 : memref<104xi32, #tpu.memory_space<vmem>>)
    %dma_start3A_36 = arith.constant 0 : i32
    %dma_start3A_37 = arith.constant 0 : i32
    %dma_start3A_38 = tpu.memref_slice %arg2[%dma_start3A_36, %dma_start3A_37] : memref<10000x128xf32, #tpu.memory_space<hbm>> -> memref<10000x128xf32, #tpu.memory_space<hbm>>
    tpu.enqueue_indirect_dma source(%dma_start3A_38 : memref<10000x128xf32, #tpu.memory_space<hbm>>) target(%arg13 : memref<104x128xf32, #tpu.memory_space<vmem>>) offsets(%arg11 : memref<104xi32, #tpu.memory_space<vmem>>) semaphore(%arg18 : memref<!tpu.dma_semaphore, #tpu.memory_space<semaphore_mem>>)
    %add3A_39 = arith.constant 208 : i32
    %add3A_40 = arith.addi %mul3A_2, %add3A_39 : i32
    %dma_start3A_41 = tpu.memref_slice %arg3[%add3A_40] : memref<320000xi32, #tpu.memory_space<hbm>> -> memref<104xi32, #tpu.memory_space<hbm>>
    %dma_start3A_42 = tpu.memref_slice %arg3[%add3A_40] : memref<320000xi32, #tpu.memory_space<hbm>> -> memref<104xi32, #tpu.memory_space<hbm>>
    tpu.enqueue_dma source(%dma_start3A_42 : memref<104xi32, #tpu.memory_space<hbm>>) target(%arg14 : memref<104xi32, #tpu.memory_space<vmem>>) target_semaphore(%arg22 : memref<!tpu.dma_semaphore, #tpu.memory_space<semaphore_mem>>)
    %dma_start3A_43 = tpu.memref_slice %arg4[%add3A_40] : memref<320000xi32, #tpu.memory_space<hbm>> -> memref<104xi32, #tpu.memory_space<hbm>>
    %dma_start3A_44 = tpu.memref_slice %arg4[%add3A_40] : memref<320000xi32, #tpu.memory_space<hbm>> -> memref<104xi32, #tpu.memory_space<hbm>>
    tpu.enqueue_dma source(%dma_start3A_44 : memref<104xi32, #tpu.memory_space<hbm>>) target(%arg15 : memref<104xi32, #tpu.memory_space<vmem>>) target_semaphore(%arg22 : memref<!tpu.dma_semaphore, #tpu.memory_space<semaphore_mem>>)
    %scan3A = arith.constant 0 : i32
    %scan3A_45 = arith.constant 32 : i32
    %scan3A_46 = arith.addi %scan3A, %scan3A_45 : i32
    %scan3A_47 = arith.constant 1 : i32
    scf.for %scan3A_67 = %scan3A to %scan3A_46 step %scan3A_47  : i32 {
      %mul3A_68 = arith.constant 3 : i32
      %mul3A_69 = arith.muli %scan3A_67, %mul3A_68 : i32
      %add3A_70 = arith.constant 0 : i32
      %add3A_71 = arith.addi %add3A_70, %mul3A_69 : i32
      %dma_wait3A_72 = arith.constant 0 : i32
      %dma_wait3A_73 = arith.constant 0 : i32
      %dma_wait3A_74 = tpu.memref_slice %arg2[%dma_wait3A_72, %dma_wait3A_73] : memref<10000x128xf32, #tpu.memory_space<hbm>> -> memref<10000x128xf32, #tpu.memory_space<hbm>>
      tpu.wait_indirect_dma semaphore(%arg17 : memref<!tpu.dma_semaphore, #tpu.memory_space<semaphore_mem>>) src(%dma_wait3A_74 : memref<10000x128xf32, #tpu.memory_space<hbm>>) dst(%arg10 : memref<104x128xf32, #tpu.memory_space<vmem>>)
      %dma_start3A_75 = arith.constant 0 : i32
      %dma_start3A_76 = arith.constant 0 : i32
      %dma_start3A_77 = tpu.memref_slice %arg7[%dma_start3A_75, %dma_start3A_76] : memref<10000x128xf32, #tpu.memory_space<vmem_shared>> -> memref<10000x128xf32, #tpu.memory_space<vmem_shared>>
      tpu.enqueue_indirect_dma source(%arg10 : memref<104x128xf32, #tpu.memory_space<vmem>>) target(%dma_start3A_77 : memref<10000x128xf32, #tpu.memory_space<vmem_shared>>) offsets(%arg9 : memref<104xi32, #tpu.memory_space<vmem>>) semaphore(%arg23 : memref<!tpu.dma_semaphore, #tpu.memory_space<semaphore_mem>>) {add = true}
      %dma_wait3A_78 = arith.constant 0 : i32
      %dma_wait3A_79 = tpu.memref_slice %arg3[%dma_wait3A_78] : memref<320000xi32, #tpu.memory_space<hbm>> -> memref<104xi32, #tpu.memory_space<hbm>>
      %dma_wait3A_80 = arith.constant 0 : i32
      %dma_wait3A_81 = tpu.memref_slice %arg3[%dma_wait3A_80] : memref<320000xi32, #tpu.memory_space<hbm>> -> memref<104xi32, #tpu.memory_space<hbm>>
      tpu.wait_dma2 semaphore(%arg22 : memref<!tpu.dma_semaphore, #tpu.memory_space<semaphore_mem>>) src(%dma_wait3A_81 : memref<104xi32, #tpu.memory_space<hbm>>) dst(%arg14 : memref<104xi32, #tpu.memory_space<vmem>>)
      %dma_wait3A_82 = arith.constant 0 : i32
      %dma_wait3A_83 = tpu.memref_slice %arg4[%dma_wait3A_82] : memref<320000xi32, #tpu.memory_space<hbm>> -> memref<104xi32, #tpu.memory_space<hbm>>
      %dma_wait3A_84 = arith.constant 0 : i32
      %dma_wait3A_85 = tpu.memref_slice %arg4[%dma_wait3A_84] : memref<320000xi32, #tpu.memory_space<hbm>> -> memref<104xi32, #tpu.memory_space<hbm>>
      tpu.wait_dma2 semaphore(%arg22 : memref<!tpu.dma_semaphore, #tpu.memory_space<semaphore_mem>>) src(%dma_wait3A_85 : memref<104xi32, #tpu.memory_space<hbm>>) dst(%arg15 : memref<104xi32, #tpu.memory_space<vmem>>)
      %dma_start3A_86 = arith.constant 0 : i32
      %dma_start3A_87 = arith.constant 0 : i32
      %dma_start3A_88 = tpu.memref_slice %arg2[%dma_start3A_86, %dma_start3A_87] : memref<10000x128xf32, #tpu.memory_space<hbm>> -> memref<10000x128xf32, #tpu.memory_space<hbm>>
      tpu.enqueue_indirect_dma source(%dma_start3A_88 : memref<10000x128xf32, #tpu.memory_space<hbm>>) target(%arg16 : memref<104x128xf32, #tpu.memory_space<vmem>>) offsets(%arg14 : memref<104xi32, #tpu.memory_space<vmem>>) semaphore(%arg19 : memref<!tpu.dma_semaphore, #tpu.memory_space<semaphore_mem>>)
      %dma_wait3A_89 = arith.constant 0 : i32
      %dma_wait3A_90 = arith.constant 0 : i32
      %dma_wait3A_91 = tpu.memref_slice %arg2[%dma_wait3A_89, %dma_wait3A_90] : memref<10000x128xf32, #tpu.memory_space<hbm>> -> memref<10000x128xf32, #tpu.memory_space<hbm>>
      tpu.wait_indirect_dma semaphore(%arg18 : memref<!tpu.dma_semaphore, #tpu.memory_space<semaphore_mem>>) src(%dma_wait3A_91 : memref<10000x128xf32, #tpu.memory_space<hbm>>) dst(%arg13 : memref<104x128xf32, #tpu.memory_space<vmem>>)
      %dma_start3A_92 = arith.constant 0 : i32
      %dma_start3A_93 = arith.constant 0 : i32
      %dma_start3A_94 = tpu.memref_slice %arg7[%dma_start3A_92, %dma_start3A_93] : memref<10000x128xf32, #tpu.memory_space<vmem_shared>> -> memref<10000x128xf32, #tpu.memory_space<vmem_shared>>
      tpu.enqueue_indirect_dma source(%arg13 : memref<104x128xf32, #tpu.memory_space<vmem>>) target(%dma_start3A_94 : memref<10000x128xf32, #tpu.memory_space<vmem_shared>>) offsets(%arg12 : memref<104xi32, #tpu.memory_space<vmem>>) semaphore(%arg24 : memref<!tpu.dma_semaphore, #tpu.memory_space<semaphore_mem>>) {add = true}
      %dma_wait3A_95 = arith.constant 0 : i32
      %dma_wait3A_96 = arith.constant 0 : i32
      %dma_wait3A_97 = tpu.memref_slice %arg7[%dma_wait3A_95, %dma_wait3A_96] : memref<10000x128xf32, #tpu.memory_space<vmem_shared>> -> memref<10000x128xf32, #tpu.memory_space<vmem_shared>>
      tpu.wait_indirect_dma semaphore(%arg23 : memref<!tpu.dma_semaphore, #tpu.memory_space<semaphore_mem>>) src(%arg10 : memref<104x128xf32, #tpu.memory_space<vmem>>) dst(%dma_wait3A_97 : memref<10000x128xf32, #tpu.memory_space<vmem_shared>>)
      %add3A_98 = arith.constant 3 : i32
      %add3A_99 = arith.addi %add3A_71, %add3A_98 : i32
      %lt3A = arith.constant 96 : i32
      %lt3A_100 = arith.cmpi slt, %add3A_99, %lt3A : i32
      %convert_element_type3A_101 = arith.extui %lt3A_100 : i1 to i32
      %cond3A_102 = arith.constant 0 : i32
      %cond3A_103 = arith.cmpi ne, %convert_element_type3A_101, %cond3A_102 : i32
      scf.if %cond3A_103 {
        %add3A_137 = arith.constant 3 : i32
        %add3A_138 = arith.addi %add3A_71, %add3A_137 : i32
        %mul3A_139 = arith.constant 104 : i32
        %mul3A_140 = arith.muli %add3A_138, %mul3A_139 : i32
        %add3A_141 = arith.addi %mul3A_2, %mul3A_140 : i32
        %dma_start3A_142 = tpu.memref_slice %arg3[%add3A_141] : memref<320000xi32, #tpu.memory_space<hbm>> -> memref<104xi32, #tpu.memory_space<hbm>>
        %dma_start3A_143 = tpu.memref_slice %arg3[%add3A_141] : memref<320000xi32, #tpu.memory_space<hbm>> -> memref<104xi32, #tpu.memory_space<hbm>>
        tpu.enqueue_dma source(%dma_start3A_143 : memref<104xi32, #tpu.memory_space<hbm>>) target(%arg8 : memref<104xi32, #tpu.memory_space<vmem>>) target_semaphore(%arg20 : memref<!tpu.dma_semaphore, #tpu.memory_space<semaphore_mem>>)
        %dma_start3A_144 = tpu.memref_slice %arg4[%add3A_141] : memref<320000xi32, #tpu.memory_space<hbm>> -> memref<104xi32, #tpu.memory_space<hbm>>
        %dma_start3A_145 = tpu.memref_slice %arg4[%add3A_141] : memref<320000xi32, #tpu.memory_space<hbm>> -> memref<104xi32, #tpu.memory_space<hbm>>
        tpu.enqueue_dma source(%dma_start3A_145 : memref<104xi32, #tpu.memory_space<hbm>>) target(%arg9 : memref<104xi32, #tpu.memory_space<vmem>>) target_semaphore(%arg20 : memref<!tpu.dma_semaphore, #tpu.memory_space<semaphore_mem>>)
      } else {
      }
      %dma_wait3A_104 = arith.constant 0 : i32
      %dma_wait3A_105 = arith.constant 0 : i32
      %dma_wait3A_106 = tpu.memref_slice %arg2[%dma_wait3A_104, %dma_wait3A_105] : memref<10000x128xf32, #tpu.memory_space<hbm>> -> memref<10000x128xf32, #tpu.memory_space<hbm>>
      tpu.wait_indirect_dma semaphore(%arg19 : memref<!tpu.dma_semaphore, #tpu.memory_space<semaphore_mem>>) src(%dma_wait3A_106 : memref<10000x128xf32, #tpu.memory_space<hbm>>) dst(%arg16 : memref<104x128xf32, #tpu.memory_space<vmem>>)
      %dma_start3A_107 = arith.constant 0 : i32
      %dma_start3A_108 = arith.constant 0 : i32
      %dma_start3A_109 = tpu.memref_slice %arg7[%dma_start3A_107, %dma_start3A_108] : memref<10000x128xf32, #tpu.memory_space<vmem_shared>> -> memref<10000x128xf32, #tpu.memory_space<vmem_shared>>
      tpu.enqueue_indirect_dma source(%arg16 : memref<104x128xf32, #tpu.memory_space<vmem>>) target(%dma_start3A_109 : memref<10000x128xf32, #tpu.memory_space<vmem_shared>>) offsets(%arg15 : memref<104xi32, #tpu.memory_space<vmem>>) semaphore(%arg25 : memref<!tpu.dma_semaphore, #tpu.memory_space<semaphore_mem>>) {add = true}
      %add3A_110 = arith.constant 3 : i32
      %add3A_111 = arith.addi %add3A_71, %add3A_110 : i32
      %lt3A_112 = arith.constant 96 : i32
      %lt3A_113 = arith.cmpi slt, %add3A_111, %lt3A_112 : i32
      %convert_element_type3A_114 = arith.extui %lt3A_113 : i1 to i32
      %cond3A_115 = arith.constant 0 : i32
      %cond3A_116 = arith.cmpi ne, %convert_element_type3A_114, %cond3A_115 : i32
      scf.if %cond3A_116 {
        %dma_wait3A_137 = arith.constant 0 : i32
        %dma_wait3A_138 = tpu.memref_slice %arg3[%dma_wait3A_137] : memref<320000xi32, #tpu.memory_space<hbm>> -> memref<104xi32, #tpu.memory_space<hbm>>
        %dma_wait3A_139 = arith.constant 0 : i32
        %dma_wait3A_140 = tpu.memref_slice %arg3[%dma_wait3A_139] : memref<320000xi32, #tpu.memory_space<hbm>> -> memref<104xi32, #tpu.memory_space<hbm>>
        tpu.wait_dma2 semaphore(%arg20 : memref<!tpu.dma_semaphore, #tpu.memory_space<semaphore_mem>>) src(%dma_wait3A_140 : memref<104xi32, #tpu.memory_space<hbm>>) dst(%arg8 : memref<104xi32, #tpu.memory_space<vmem>>)
        %dma_wait3A_141 = arith.constant 0 : i32
        %dma_wait3A_142 = tpu.memref_slice %arg4[%dma_wait3A_141] : memref<320000xi32, #tpu.memory_space<hbm>> -> memref<104xi32, #tpu.memory_space<hbm>>
        %dma_wait3A_143 = arith.constant 0 : i32
        %dma_wait3A_144 = tpu.memref_slice %arg4[%dma_wait3A_143] : memref<320000xi32, #tpu.memory_space<hbm>> -> memref<104xi32, #tpu.memory_space<hbm>>
        tpu.wait_dma2 semaphore(%arg20 : memref<!tpu.dma_semaphore, #tpu.memory_space<semaphore_mem>>) src(%dma_wait3A_144 : memref<104xi32, #tpu.memory_space<hbm>>) dst(%arg9 : memref<104xi32, #tpu.memory_space<vmem>>)
        %dma_start3A_145 = arith.constant 0 : i32
        %dma_start3A_146 = arith.constant 0 : i32
        %dma_start3A_147 = tpu.memref_slice %arg2[%dma_start3A_145, %dma_start3A_146] : memref<10000x128xf32, #tpu.memory_space<hbm>> -> memref<10000x128xf32, #tpu.memory_space<hbm>>
        tpu.enqueue_indirect_dma source(%dma_start3A_147 : memref<10000x128xf32, #tpu.memory_space<hbm>>) target(%arg10 : memref<104x128xf32, #tpu.memory_space<vmem>>) offsets(%arg8 : memref<104xi32, #tpu.memory_space<vmem>>) semaphore(%arg17 : memref<!tpu.dma_semaphore, #tpu.memory_space<semaphore_mem>>)
      } else {
      }
      %dma_wait3A_117 = arith.constant 0 : i32
      %dma_wait3A_118 = arith.constant 0 : i32
      %dma_wait3A_119 = tpu.memref_slice %arg7[%dma_wait3A_117, %dma_wait3A_118] : memref<10000x128xf32, #tpu.memory_space<vmem_shared>> -> memref<10000x128xf32, #tpu.memory_space<vmem_shared>>
      tpu.wait_indirect_dma semaphore(%arg24 : memref<!tpu.dma_semaphore, #tpu.memory_space<semaphore_mem>>) src(%arg13 : memref<104x128xf32, #tpu.memory_space<vmem>>) dst(%dma_wait3A_119 : memref<10000x128xf32, #tpu.memory_space<vmem_shared>>)
      %add3A_120 = arith.constant 4 : i32
      %add3A_121 = arith.addi %add3A_71, %add3A_120 : i32
      %lt3A_122 = arith.constant 96 : i32
      %lt3A_123 = arith.cmpi slt, %add3A_121, %lt3A_122 : i32
      %convert_element_type3A_124 = arith.extui %lt3A_123 : i1 to i32
      %cond3A_125 = arith.constant 0 : i32
      %cond3A_126 = arith.cmpi ne, %convert_element_type3A_124, %cond3A_125 : i32
      scf.if %cond3A_126 {
        %add3A_137 = arith.constant 4 : i32
        %add3A_138 = arith.addi %add3A_71, %add3A_137 : i32
        %mul3A_139 = arith.constant 104 : i32
        %mul3A_140 = arith.muli %add3A_138, %mul3A_139 : i32
        %add3A_141 = arith.addi %mul3A_2, %mul3A_140 : i32
        %dma_start3A_142 = tpu.memref_slice %arg3[%add3A_141] : memref<320000xi32, #tpu.memory_space<hbm>> -> memref<104xi32, #tpu.memory_space<hbm>>
        %dma_start3A_143 = tpu.memref_slice %arg3[%add3A_141] : memref<320000xi32, #tpu.memory_space<hbm>> -> memref<104xi32, #tpu.memory_space<hbm>>
        tpu.enqueue_dma source(%dma_start3A_143 : memref<104xi32, #tpu.memory_space<hbm>>) target(%arg11 : memref<104xi32, #tpu.memory_space<vmem>>) target_semaphore(%arg21 : memref<!tpu.dma_semaphore, #tpu.memory_space<semaphore_mem>>)
        %dma_start3A_144 = tpu.memref_slice %arg4[%add3A_141] : memref<320000xi32, #tpu.memory_space<hbm>> -> memref<104xi32, #tpu.memory_space<hbm>>
        %dma_start3A_145 = tpu.memref_slice %arg4[%add3A_141] : memref<320000xi32, #tpu.memory_space<hbm>> -> memref<104xi32, #tpu.memory_space<hbm>>
        tpu.enqueue_dma source(%dma_start3A_145 : memref<104xi32, #tpu.memory_space<hbm>>) target(%arg12 : memref<104xi32, #tpu.memory_space<vmem>>) target_semaphore(%arg21 : memref<!tpu.dma_semaphore, #tpu.memory_space<semaphore_mem>>)
        %dma_wait3A_146 = arith.constant 0 : i32
        %dma_wait3A_147 = tpu.memref_slice %arg3[%dma_wait3A_146] : memref<320000xi32, #tpu.memory_space<hbm>> -> memref<104xi32, #tpu.memory_space<hbm>>
        %dma_wait3A_148 = arith.constant 0 : i32
        %dma_wait3A_149 = tpu.memref_slice %arg3[%dma_wait3A_148] : memref<320000xi32, #tpu.memory_space<hbm>> -> memref<104xi32, #tpu.memory_space<hbm>>
        tpu.wait_dma2 semaphore(%arg21 : memref<!tpu.dma_semaphore, #tpu.memory_space<semaphore_mem>>) src(%dma_wait3A_149 : memref<104xi32, #tpu.memory_space<hbm>>) dst(%arg11 : memref<104xi32, #tpu.memory_space<vmem>>)
        %dma_wait3A_150 = arith.constant 0 : i32
        %dma_wait3A_151 = tpu.memref_slice %arg4[%dma_wait3A_150] : memref<320000xi32, #tpu.memory_space<hbm>> -> memref<104xi32, #tpu.memory_space<hbm>>
        %dma_wait3A_152 = arith.constant 0 : i32
        %dma_wait3A_153 = tpu.memref_slice %arg4[%dma_wait3A_152] : memref<320000xi32, #tpu.memory_space<hbm>> -> memref<104xi32, #tpu.memory_space<hbm>>
        tpu.wait_dma2 semaphore(%arg21 : memref<!tpu.dma_semaphore, #tpu.memory_space<semaphore_mem>>) src(%dma_wait3A_153 : memref<104xi32, #tpu.memory_space<hbm>>) dst(%arg12 : memref<104xi32, #tpu.memory_space<vmem>>)
        %dma_start3A_154 = arith.constant 0 : i32
        %dma_start3A_155 = arith.constant 0 : i32
        %dma_start3A_156 = tpu.memref_slice %arg2[%dma_start3A_154, %dma_start3A_155] : memref<10000x128xf32, #tpu.memory_space<hbm>> -> memref<10000x128xf32, #tpu.memory_space<hbm>>
        tpu.enqueue_indirect_dma source(%dma_start3A_156 : memref<10000x128xf32, #tpu.memory_space<hbm>>) target(%arg13 : memref<104x128xf32, #tpu.memory_space<vmem>>) offsets(%arg11 : memref<104xi32, #tpu.memory_space<vmem>>) semaphore(%arg18 : memref<!tpu.dma_semaphore, #tpu.memory_space<semaphore_mem>>)
      } else {
      }
      %dma_wait3A_127 = arith.constant 0 : i32
      %dma_wait3A_128 = arith.constant 0 : i32
      %dma_wait3A_129 = tpu.memref_slice %arg7[%dma_wait3A_127, %dma_wait3A_128] : memref<10000x128xf32, #tpu.memory_space<vmem_shared>> -> memref<10000x128xf32, #tpu.memory_space<vmem_shared>>
      tpu.wait_indirect_dma semaphore(%arg25 : memref<!tpu.dma_semaphore, #tpu.memory_space<semaphore_mem>>) src(%arg16 : memref<104x128xf32, #tpu.memory_space<vmem>>) dst(%dma_wait3A_129 : memref<10000x128xf32, #tpu.memory_space<vmem_shared>>)
      %add3A_130 = arith.constant 5 : i32
      %add3A_131 = arith.addi %add3A_71, %add3A_130 : i32
      %lt3A_132 = arith.constant 96 : i32
      %lt3A_133 = arith.cmpi slt, %add3A_131, %lt3A_132 : i32
      %convert_element_type3A_134 = arith.extui %lt3A_133 : i1 to i32
      %cond3A_135 = arith.constant 0 : i32
      %cond3A_136 = arith.cmpi ne, %convert_element_type3A_134, %cond3A_135 : i32
      scf.if %cond3A_136 {
        %add3A_137 = arith.constant 5 : i32
        %add3A_138 = arith.addi %add3A_71, %add3A_137 : i32
        %mul3A_139 = arith.constant 104 : i32
        %mul3A_140 = arith.muli %add3A_138, %mul3A_139 : i32
        %add3A_141 = arith.addi %mul3A_2, %mul3A_140 : i32
        %dma_start3A_142 = tpu.memref_slice %arg3[%add3A_141] : memref<320000xi32, #tpu.memory_space<hbm>> -> memref<104xi32, #tpu.memory_space<hbm>>
        %dma_start3A_143 = tpu.memref_slice %arg3[%add3A_141] : memref<320000xi32, #tpu.memory_space<hbm>> -> memref<104xi32, #tpu.memory_space<hbm>>
        tpu.enqueue_dma source(%dma_start3A_143 : memref<104xi32, #tpu.memory_space<hbm>>) target(%arg14 : memref<104xi32, #tpu.memory_space<vmem>>) target_semaphore(%arg22 : memref<!tpu.dma_semaphore, #tpu.memory_space<semaphore_mem>>)
        %dma_start3A_144 = tpu.memref_slice %arg4[%add3A_141] : memref<320000xi32, #tpu.memory_space<hbm>> -> memref<104xi32, #tpu.memory_space<hbm>>
        %dma_start3A_145 = tpu.memref_slice %arg4[%add3A_141] : memref<320000xi32, #tpu.memory_space<hbm>> -> memref<104xi32, #tpu.memory_space<hbm>>
        tpu.enqueue_dma source(%dma_start3A_145 : memref<104xi32, #tpu.memory_space<hbm>>) target(%arg15 : memref<104xi32, #tpu.memory_space<vmem>>) target_semaphore(%arg22 : memref<!tpu.dma_semaphore, #tpu.memory_space<semaphore_mem>>)
      } else {
      }
    }
    %scan3A_48 = arith.constant 32 : i32
    %add3A_49 = arith.constant 9984 : i32
    %add3A_50 = arith.addi %mul3A_2, %add3A_49 : i32
    "tpu.region"() ({
      %run_scoped3A = tpu.sem_alloc : memref<!tpu.dma_semaphore, #tpu.memory_space<semaphore_mem>>
      %dma_start3A_67 = tpu.memref_slice %arg3[%add3A_50] : memref<320000xi32, #tpu.memory_space<hbm>> -> memref<16xi32, #tpu.memory_space<hbm>>
      %dma_start3A_68 = tpu.memref_slice %arg3[%add3A_50] : memref<320000xi32, #tpu.memory_space<hbm>> -> memref<16xi32, #tpu.memory_space<hbm>>
      tpu.enqueue_dma source(%dma_start3A_68 : memref<16xi32, #tpu.memory_space<hbm>>) target(%arg26 : memref<16xi32, #tpu.memory_space<vmem>>) target_semaphore(%run_scoped3A : memref<!tpu.dma_semaphore, #tpu.memory_space<semaphore_mem>>)
      %dma_wait3A_69 = tpu.memref_slice %arg3[%add3A_50] : memref<320000xi32, #tpu.memory_space<hbm>> -> memref<16xi32, #tpu.memory_space<hbm>>
      %dma_wait3A_70 = tpu.memref_slice %arg3[%add3A_50] : memref<320000xi32, #tpu.memory_space<hbm>> -> memref<16xi32, #tpu.memory_space<hbm>>
      tpu.wait_dma2 semaphore(%run_scoped3A : memref<!tpu.dma_semaphore, #tpu.memory_space<semaphore_mem>>) src(%dma_wait3A_70 : memref<16xi32, #tpu.memory_space<hbm>>) dst(%arg26 : memref<16xi32, #tpu.memory_space<vmem>>)
      tpu.yield
    }) : () -> ()
    "tpu.region"() ({
      %run_scoped3A = tpu.sem_alloc : memref<!tpu.dma_semaphore, #tpu.memory_space<semaphore_mem>>
      %dma_start3A_67 = tpu.memref_slice %arg4[%add3A_50] : memref<320000xi32, #tpu.memory_space<hbm>> -> memref<16xi32, #tpu.memory_space<hbm>>
      %dma_start3A_68 = tpu.memref_slice %arg4[%add3A_50] : memref<320000xi32, #tpu.memory_space<hbm>> -> memref<16xi32, #tpu.memory_space<hbm>>
      tpu.enqueue_dma source(%dma_start3A_68 : memref<16xi32, #tpu.memory_space<hbm>>) target(%arg27 : memref<16xi32, #tpu.memory_space<vmem>>) target_semaphore(%run_scoped3A : memref<!tpu.dma_semaphore, #tpu.memory_space<semaphore_mem>>)
      %dma_wait3A_69 = tpu.memref_slice %arg4[%add3A_50] : memref<320000xi32, #tpu.memory_space<hbm>> -> memref<16xi32, #tpu.memory_space<hbm>>
      %dma_wait3A_70 = tpu.memref_slice %arg4[%add3A_50] : memref<320000xi32, #tpu.memory_space<hbm>> -> memref<16xi32, #tpu.memory_space<hbm>>
      tpu.wait_dma2 semaphore(%run_scoped3A : memref<!tpu.dma_semaphore, #tpu.memory_space<semaphore_mem>>) src(%dma_wait3A_70 : memref<16xi32, #tpu.memory_space<hbm>>) dst(%arg27 : memref<16xi32, #tpu.memory_space<vmem>>)
      tpu.yield
    }) : () -> ()
    %dma_start3A_51 = arith.constant 0 : i32
    %dma_start3A_52 = arith.constant 0 : i32
    %dma_start3A_53 = tpu.memref_slice %arg2[%dma_start3A_51, %dma_start3A_52] : memref<10000x128xf32, #tpu.memory_space<hbm>> -> memref<10000x128xf32, #tpu.memory_space<hbm>>
    tpu.enqueue_indirect_dma source(%dma_start3A_53 : memref<10000x128xf32, #tpu.memory_space<hbm>>) target(%arg28 : memref<16x128xf32, #tpu.memory_space<vmem>>) offsets(%arg26 : memref<16xi32, #tpu.memory_space<vmem>>) semaphore(%arg17 : memref<!tpu.dma_semaphore, #tpu.memory_space<semaphore_mem>>)
    %dma_wait3A_54 = arith.constant 0 : i32
    %dma_wait3A_55 = arith.constant 0 : i32
    %dma_wait3A_56 = tpu.memref_slice %arg2[%dma_wait3A_54, %dma_wait3A_55] : memref<10000x128xf32, #tpu.memory_space<hbm>> -> memref<10000x128xf32, #tpu.memory_space<hbm>>
    tpu.wait_indirect_dma semaphore(%arg17 : memref<!tpu.dma_semaphore, #tpu.memory_space<semaphore_mem>>) src(%dma_wait3A_56 : memref<10000x128xf32, #tpu.memory_space<hbm>>) dst(%arg28 : memref<16x128xf32, #tpu.memory_space<vmem>>)
    "tpu.region"() ({
      %run_scoped3A = tpu.sem_alloc : memref<!tpu.dma_semaphore, #tpu.memory_space<semaphore_mem>>
      %dma_start3A_67 = arith.constant 0 : i32
      %dma_start3A_68 = arith.constant 0 : i32
      %dma_start3A_69 = tpu.memref_slice %arg7[%dma_start3A_67, %dma_start3A_68] : memref<10000x128xf32, #tpu.memory_space<vmem_shared>> -> memref<10000x128xf32, #tpu.memory_space<vmem_shared>>
      tpu.enqueue_indirect_dma source(%arg28 : memref<16x128xf32, #tpu.memory_space<vmem>>) target(%dma_start3A_69 : memref<10000x128xf32, #tpu.memory_space<vmem_shared>>) offsets(%arg27 : memref<16xi32, #tpu.memory_space<vmem>>) semaphore(%run_scoped3A : memref<!tpu.dma_semaphore, #tpu.memory_space<semaphore_mem>>) {add = true}
      %dma_wait3A_70 = arith.constant 0 : i32
      %dma_wait3A_71 = arith.constant 0 : i32
      %dma_wait3A_72 = tpu.memref_slice %arg7[%dma_wait3A_70, %dma_wait3A_71] : memref<10000x128xf32, #tpu.memory_space<vmem_shared>> -> memref<10000x128xf32, #tpu.memory_space<vmem_shared>>
      tpu.wait_indirect_dma semaphore(%run_scoped3A : memref<!tpu.dma_semaphore, #tpu.memory_space<semaphore_mem>>) src(%arg28 : memref<16x128xf32, #tpu.memory_space<vmem>>) dst(%dma_wait3A_72 : memref<10000x128xf32, #tpu.memory_space<vmem_shared>>)
      tpu.yield
    }) : () -> ()
    %barrier3A_57 = arith.constant 0 : index
    tpu.barrier barrier_id(%barrier3A_57)
    %mul3A_58 = arith.constant 624 : i32
    %mul3A_59 = arith.muli %arg1, %mul3A_58 : i32
    %mul3A_60 = arith.constant 624 : i32
    %mul3A_61 = arith.muli %arg1, %mul3A_60 : i32
    "tpu.region"() ({
      %run_scoped3A = tpu.sem_alloc : memref<!tpu.dma_semaphore, #tpu.memory_space<semaphore_mem>>
      %dma_start3A_67 = arith.constant 0 : i32
      %dma_start3A_68 = arith.constant 0 : i32
      %dma_start3A_69 = tpu.memref_slice %arg6[%arg0, %dma_start3A_67, %dma_start3A_68] : memref<2x10000x128xf32, #tpu.memory_space<hbm>> -> memref<1x10000x128xf32, #tpu.memory_space<hbm>>
      %dma_start3A_70 = tpu.memref_squeeze %dma_start3A_69 : memref<1x10000x128xf32, #tpu.memory_space<hbm>> -> memref<10000x128xf32, #tpu.memory_space<hbm>>
      %dma_start3A_71 = arith.constant 0 : i32
      %dma_start3A_72 = tpu.memref_slice %dma_start3A_70[%mul3A_61, %dma_start3A_71] : memref<10000x128xf32, #tpu.memory_space<hbm>> -> memref<624x128xf32, #tpu.memory_space<hbm>>
      %dma_start3A_73 = arith.constant 0 : i32
      %dma_start3A_74 = tpu.memref_slice %arg7[%mul3A_59, %dma_start3A_73] : memref<10000x128xf32, #tpu.memory_space<vmem_shared>> -> memref<624x128xf32, #tpu.memory_space<vmem_shared>>
      tpu.enqueue_dma source(%dma_start3A_74 : memref<624x128xf32, #tpu.memory_space<vmem_shared>>) target(%dma_start3A_72 : memref<624x128xf32, #tpu.memory_space<hbm>>) target_semaphore(%run_scoped3A : memref<!tpu.dma_semaphore, #tpu.memory_space<semaphore_mem>>)
      %dma_wait3A_75 = arith.constant 0 : i32
      %dma_wait3A_76 = arith.constant 0 : i32
      %dma_wait3A_77 = tpu.memref_slice %arg6[%arg0, %dma_wait3A_75, %dma_wait3A_76] : memref<2x10000x128xf32, #tpu.memory_space<hbm>> -> memref<1x10000x128xf32, #tpu.memory_space<hbm>>
      %dma_wait3A_78 = tpu.memref_squeeze %dma_wait3A_77 : memref<1x10000x128xf32, #tpu.memory_space<hbm>> -> memref<10000x128xf32, #tpu.memory_space<hbm>>
      %dma_wait3A_79 = arith.constant 0 : i32
      %dma_wait3A_80 = tpu.memref_slice %dma_wait3A_78[%mul3A_61, %dma_wait3A_79] : memref<10000x128xf32, #tpu.memory_space<hbm>> -> memref<624x128xf32, #tpu.memory_space<hbm>>
      %dma_wait3A_81 = arith.constant 0 : i32
      %dma_wait3A_82 = tpu.memref_slice %arg7[%mul3A_59, %dma_wait3A_81] : memref<10000x128xf32, #tpu.memory_space<vmem_shared>> -> memref<624x128xf32, #tpu.memory_space<vmem_shared>>
      tpu.wait_dma2 semaphore(%run_scoped3A : memref<!tpu.dma_semaphore, #tpu.memory_space<semaphore_mem>>) src(%dma_wait3A_82 : memref<624x128xf32, #tpu.memory_space<vmem_shared>>) dst(%dma_wait3A_80 : memref<624x128xf32, #tpu.memory_space<hbm>>)
      tpu.yield
    }) : () -> ()
    %eq3A_62 = arith.constant 0 : i32
    %eq3A_63 = arith.cmpi eq, %arg1, %eq3A_62 : i32
    %convert_element_type3A_64 = arith.extui %eq3A_63 : i1 to i32
    %cond3A_65 = arith.constant 0 : i32
    %cond3A_66 = arith.cmpi ne, %convert_element_type3A_64, %cond3A_65 : i32
    scf.if %cond3A_66 {
      "tpu.region"() ({
        %run_scoped3A = tpu.sem_alloc : memref<!tpu.dma_semaphore, #tpu.memory_space<semaphore_mem>>
        %dma_start3A_67 = arith.constant 0 : i32
        %dma_start3A_68 = arith.constant 0 : i32
        %dma_start3A_69 = tpu.memref_slice %arg6[%arg0, %dma_start3A_67, %dma_start3A_68] : memref<2x10000x128xf32, #tpu.memory_space<hbm>> -> memref<1x10000x128xf32, #tpu.memory_space<hbm>>
        %dma_start3A_70 = tpu.memref_squeeze %dma_start3A_69 : memref<1x10000x128xf32, #tpu.memory_space<hbm>> -> memref<10000x128xf32, #tpu.memory_space<hbm>>
        %dma_start3A_71 = arith.constant 9984 : i32
        %dma_start3A_72 = arith.constant 0 : i32
        %dma_start3A_73 = tpu.memref_slice %dma_start3A_70[%dma_start3A_71, %dma_start3A_72] : memref<10000x128xf32, #tpu.memory_space<hbm>> -> memref<16x128xf32, #tpu.memory_space<hbm>>
        %dma_start3A_74 = arith.constant 9984 : i32
        %dma_start3A_75 = arith.constant 0 : i32
        %dma_start3A_76 = tpu.memref_slice %arg7[%dma_start3A_74, %dma_start3A_75] : memref<10000x128xf32, #tpu.memory_space<vmem_shared>> -> memref<16x128xf32, #tpu.memory_space<vmem_shared>>
        tpu.enqueue_dma source(%dma_start3A_76 : memref<16x128xf32, #tpu.memory_space<vmem_shared>>) target(%dma_start3A_73 : memref<16x128xf32, #tpu.memory_space<hbm>>) target_semaphore(%run_scoped3A : memref<!tpu.dma_semaphore, #tpu.memory_space<semaphore_mem>>)
        %dma_wait3A_77 = arith.constant 0 : i32
        %dma_wait3A_78 = arith.constant 0 : i32
        %dma_wait3A_79 = tpu.memref_slice %arg6[%arg0, %dma_wait3A_77, %dma_wait3A_78] : memref<2x10000x128xf32, #tpu.memory_space<hbm>> -> memref<1x10000x128xf32, #tpu.memory_space<hbm>>
        %dma_wait3A_80 = tpu.memref_squeeze %dma_wait3A_79 : memref<1x10000x128xf32, #tpu.memory_space<hbm>> -> memref<10000x128xf32, #tpu.memory_space<hbm>>
        %dma_wait3A_81 = arith.constant 9984 : i32
        %dma_wait3A_82 = arith.constant 0 : i32
        %dma_wait3A_83 = tpu.memref_slice %dma_wait3A_80[%dma_wait3A_81, %dma_wait3A_82] : memref<10000x128xf32, #tpu.memory_space<hbm>> -> memref<16x128xf32, #tpu.memory_space<hbm>>
        %dma_wait3A_84 = arith.constant 9984 : i32
        %dma_wait3A_85 = arith.constant 0 : i32
        %dma_wait3A_86 = tpu.memref_slice %arg7[%dma_wait3A_84, %dma_wait3A_85] : memref<10000x128xf32, #tpu.memory_space<vmem_shared>> -> memref<16x128xf32, #tpu.memory_space<vmem_shared>>
        tpu.wait_dma2 semaphore(%run_scoped3A : memref<!tpu.dma_semaphore, #tpu.memory_space<semaphore_mem>>) src(%dma_wait3A_86 : memref<16x128xf32, #tpu.memory_space<vmem_shared>>) dst(%dma_wait3A_83 : memref<16x128xf32, #tpu.memory_space<hbm>>)
        tpu.yield
      }) : () -> ()
    } else {
    }
    return
  }
}

#map = affine_map<(d0, d1) -> (0)>
#map1 = affine_map<(d0, d1) -> (0, 0)>
module attributes {stable_mosaic.version = 14 : i64} {
  func.func @deg_kernel(%arg0: i32, %arg1: i32, %arg2: memref<320000xi32, #tpu.memory_space<hbm>>, %arg3: memref<320000xi32, #tpu.memory_space<hbm>>, %arg4: memref<32x10000xf32, #tpu.memory_space<hbm>>, %arg5: memref<32x10000xf32, #tpu.memory_space<hbm>>, %arg6: memref<10000xi32, #tpu.memory_space<vmem>>, %arg7: memref<10000xi32, #tpu.memory_space<vmem>>, %arg8: memref<10000xf32, #tpu.memory_space<vmem>>, %arg9: memref<10000xf32, #tpu.memory_space<vmem>>, %arg10: memref<!tpu.dma_semaphore, #tpu.memory_space<semaphore_mem>>) attributes {dimension_semantics = [#tpu.dimension_semantics<core_parallel>, #tpu.dimension_semantics<subcore_parallel>], iteration_bounds = array<i64: 2, 16>, scalar_prefetch = 0 : i64, scratch_operands = 5 : i64, tpu.core_type = #tpu.core_type<sc_vector_subcore>, window_params = [{transform_indices = #map}, {transform_indices = #map}, {transform_indices = #map1}, {transform_indices = #map1}]} {
    %mul3A = arith.constant 16 : i32
    %mul3A_0 = arith.muli %arg0, %mul3A : i32
    %add3A = arith.addi %mul3A_0, %arg1 : i32
    %mul3A_1 = arith.constant 10000 : i32
    %mul3A_2 = arith.muli %add3A, %mul3A_1 : i32
    %dma_start3A = tpu.memref_slice %arg2[%mul3A_2] : memref<320000xi32, #tpu.memory_space<hbm>> -> memref<10000xi32, #tpu.memory_space<hbm>>
    %dma_start3A_3 = tpu.memref_slice %arg2[%mul3A_2] : memref<320000xi32, #tpu.memory_space<hbm>> -> memref<10000xi32, #tpu.memory_space<hbm>>
    tpu.enqueue_dma source(%dma_start3A_3 : memref<10000xi32, #tpu.memory_space<hbm>>) target(%arg6 : memref<10000xi32, #tpu.memory_space<vmem>>) target_semaphore(%arg10 : memref<!tpu.dma_semaphore, #tpu.memory_space<semaphore_mem>>)
    %dma_wait3A = tpu.memref_slice %arg2[%mul3A_2] : memref<320000xi32, #tpu.memory_space<hbm>> -> memref<10000xi32, #tpu.memory_space<hbm>>
    %dma_wait3A_4 = tpu.memref_slice %arg2[%mul3A_2] : memref<320000xi32, #tpu.memory_space<hbm>> -> memref<10000xi32, #tpu.memory_space<hbm>>
    tpu.wait_dma2 semaphore(%arg10 : memref<!tpu.dma_semaphore, #tpu.memory_space<semaphore_mem>>) src(%dma_wait3A_4 : memref<10000xi32, #tpu.memory_space<hbm>>) dst(%arg6 : memref<10000xi32, #tpu.memory_space<vmem>>)
    %dma_start3A_5 = tpu.memref_slice %arg3[%mul3A_2] : memref<320000xi32, #tpu.memory_space<hbm>> -> memref<10000xi32, #tpu.memory_space<hbm>>
    %dma_start3A_6 = tpu.memref_slice %arg3[%mul3A_2] : memref<320000xi32, #tpu.memory_space<hbm>> -> memref<10000xi32, #tpu.memory_space<hbm>>
    tpu.enqueue_dma source(%dma_start3A_6 : memref<10000xi32, #tpu.memory_space<hbm>>) target(%arg7 : memref<10000xi32, #tpu.memory_space<vmem>>) target_semaphore(%arg10 : memref<!tpu.dma_semaphore, #tpu.memory_space<semaphore_mem>>)
    %dma_wait3A_7 = tpu.memref_slice %arg3[%mul3A_2] : memref<320000xi32, #tpu.memory_space<hbm>> -> memref<10000xi32, #tpu.memory_space<hbm>>
    %dma_wait3A_8 = tpu.memref_slice %arg3[%mul3A_2] : memref<320000xi32, #tpu.memory_space<hbm>> -> memref<10000xi32, #tpu.memory_space<hbm>>
    tpu.wait_dma2 semaphore(%arg10 : memref<!tpu.dma_semaphore, #tpu.memory_space<semaphore_mem>>) src(%dma_wait3A_8 : memref<10000xi32, #tpu.memory_space<hbm>>) dst(%arg7 : memref<10000xi32, #tpu.memory_space<vmem>>)
    %broadcast_in_dim3A = arith.constant 0.000000e+00 : f32
    %broadcast_in_dim3A_9 = vector.broadcast %broadcast_in_dim3A : f32 to vector<16xf32>
    %scan3A = arith.constant 0 : i32
    %scan3A_10 = arith.constant 625 : i32
    %scan3A_11 = arith.addi %scan3A, %scan3A_10 : i32
    %scan3A_12 = arith.constant 1 : i32
    scf.for %scan3A_45 = %scan3A to %scan3A_11 step %scan3A_12  : i32 {
      %mul3A_46 = arith.constant 16 : i32
      %mul3A_47 = arith.muli %scan3A_45, %mul3A_46 : i32
      %add3A_48 = arith.constant 0 : i32
      %add3A_49 = arith.addi %add3A_48, %mul3A_47 : i32
      %swap3A = arith.index_cast %add3A_49 : i32 to index
      %swap3A_50 = tpu.vector_load %arg8[%swap3A] {strides = array<i32>} : memref<10000xf32, #tpu.memory_space<vmem>>, vector<16xf32>,
      tpu.vector_store %arg8[%swap3A], %broadcast_in_dim3A_9 {strides = array<i32>} : memref<10000xf32, #tpu.memory_space<vmem>>, vector<16xf32>,
      %swap3A_51 = arith.index_cast %add3A_49 : i32 to index
      %swap3A_52 = tpu.vector_load %arg9[%swap3A_51] {strides = array<i32>} : memref<10000xf32, #tpu.memory_space<vmem>>, vector<16xf32>,
      tpu.vector_store %arg9[%swap3A_51], %broadcast_in_dim3A_9 {strides = array<i32>} : memref<10000xf32, #tpu.memory_space<vmem>>, vector<16xf32>,
    }
    %scan3A_13 = arith.constant 625 : i32
    %broadcast_in_dim3A_14 = arith.constant 1.000000e+00 : f32
    %broadcast_in_dim3A_15 = vector.broadcast %broadcast_in_dim3A_14 : f32 to vector<16xf32>
    %scan3A_16 = arith.constant 0 : i32
    %scan3A_17 = arith.constant 625 : i32
    %scan3A_18 = arith.addi %scan3A_16, %scan3A_17 : i32
    %scan3A_19 = arith.constant 1 : i32
    scf.for %scan3A_45 = %scan3A_16 to %scan3A_18 step %scan3A_19  : i32 {
      %mul3A_46 = arith.constant 16 : i32
      %mul3A_47 = arith.muli %scan3A_45, %mul3A_46 : i32
      %add3A_48 = arith.constant 0 : i32
      %add3A_49 = arith.addi %add3A_48, %mul3A_47 : i32
      %get3A = arith.index_cast %add3A_49 : i32 to index
      %get3A_50 = tpu.vector_load %arg6[%get3A] {strides = array<i32>} : memref<10000xi32, #tpu.memory_space<vmem>>, vector<16xi32>,
      tpu.vector_store_idx %arg8[%get3A_50], %broadcast_in_dim3A_15 {add = true} : memref<10000xf32, #tpu.memory_space<vmem>>[vector<16xi32>], vector<16xf32>,
      %get3A_51 = arith.index_cast %add3A_49 : i32 to index
      %get3A_52 = tpu.vector_load %arg7[%get3A_51] {strides = array<i32>} : memref<10000xi32, #tpu.memory_space<vmem>>, vector<16xi32>,
      tpu.vector_store_idx %arg9[%get3A_52], %broadcast_in_dim3A_15 {add = true} : memref<10000xf32, #tpu.memory_space<vmem>>[vector<16xi32>], vector<16xf32>,
    }
    %scan3A_20 = arith.constant 625 : i32
    %dma_start3A_21 = arith.constant 0 : i32
    %dma_start3A_22 = tpu.memref_slice %arg4[%add3A, %dma_start3A_21] : memref<32x10000xf32, #tpu.memory_space<hbm>> -> memref<1x10000xf32, #tpu.memory_space<hbm>>
    %dma_start3A_23 = tpu.memref_squeeze %dma_start3A_22 : memref<1x10000xf32, #tpu.memory_space<hbm>> -> memref<10000xf32, #tpu.memory_space<hbm>>
    %dma_start3A_24 = arith.constant 0 : i32
    %dma_start3A_25 = tpu.memref_slice %arg4[%add3A, %dma_start3A_24] : memref<32x10000xf32, #tpu.memory_space<hbm>> -> memref<1x10000xf32, #tpu.memory_space<hbm>>
    %dma_start3A_26 = tpu.memref_squeeze %dma_start3A_25 : memref<1x10000xf32, #tpu.memory_space<hbm>> -> memref<10000xf32, #tpu.memory_space<hbm>>
    tpu.enqueue_dma source(%arg8 : memref<10000xf32, #tpu.memory_space<vmem>>) target(%dma_start3A_26 : memref<10000xf32, #tpu.memory_space<hbm>>) target_semaphore(%arg10 : memref<!tpu.dma_semaphore, #tpu.memory_space<semaphore_mem>>)
    %dma_wait3A_27 = arith.constant 0 : i32
    %dma_wait3A_28 = tpu.memref_slice %arg4[%add3A, %dma_wait3A_27] : memref<32x10000xf32, #tpu.memory_space<hbm>> -> memref<1x10000xf32, #tpu.memory_space<hbm>>
    %dma_wait3A_29 = tpu.memref_squeeze %dma_wait3A_28 : memref<1x10000xf32, #tpu.memory_space<hbm>> -> memref<10000xf32, #tpu.memory_space<hbm>>
    %dma_wait3A_30 = arith.constant 0 : i32
    %dma_wait3A_31 = tpu.memref_slice %arg4[%add3A, %dma_wait3A_30] : memref<32x10000xf32, #tpu.memory_space<hbm>> -> memref<1x10000xf32, #tpu.memory_space<hbm>>
    %dma_wait3A_32 = tpu.memref_squeeze %dma_wait3A_31 : memref<1x10000xf32, #tpu.memory_space<hbm>> -> memref<10000xf32, #tpu.memory_space<hbm>>
    tpu.wait_dma2 semaphore(%arg10 : memref<!tpu.dma_semaphore, #tpu.memory_space<semaphore_mem>>) src(%arg8 : memref<10000xf32, #tpu.memory_space<vmem>>) dst(%dma_wait3A_32 : memref<10000xf32, #tpu.memory_space<hbm>>)
    %dma_start3A_33 = arith.constant 0 : i32
    %dma_start3A_34 = tpu.memref_slice %arg5[%add3A, %dma_start3A_33] : memref<32x10000xf32, #tpu.memory_space<hbm>> -> memref<1x10000xf32, #tpu.memory_space<hbm>>
    %dma_start3A_35 = tpu.memref_squeeze %dma_start3A_34 : memref<1x10000xf32, #tpu.memory_space<hbm>> -> memref<10000xf32, #tpu.memory_space<hbm>>
    %dma_start3A_36 = arith.constant 0 : i32
    %dma_start3A_37 = tpu.memref_slice %arg5[%add3A, %dma_start3A_36] : memref<32x10000xf32, #tpu.memory_space<hbm>> -> memref<1x10000xf32, #tpu.memory_space<hbm>>
    %dma_start3A_38 = tpu.memref_squeeze %dma_start3A_37 : memref<1x10000xf32, #tpu.memory_space<hbm>> -> memref<10000xf32, #tpu.memory_space<hbm>>
    tpu.enqueue_dma source(%arg9 : memref<10000xf32, #tpu.memory_space<vmem>>) target(%dma_start3A_38 : memref<10000xf32, #tpu.memory_space<hbm>>) target_semaphore(%arg10 : memref<!tpu.dma_semaphore, #tpu.memory_space<semaphore_mem>>)
    %dma_wait3A_39 = arith.constant 0 : i32
    %dma_wait3A_40 = tpu.memref_slice %arg5[%add3A, %dma_wait3A_39] : memref<32x10000xf32, #tpu.memory_space<hbm>> -> memref<1x10000xf32, #tpu.memory_space<hbm>>
    %dma_wait3A_41 = tpu.memref_squeeze %dma_wait3A_40 : memref<1x10000xf32, #tpu.memory_space<hbm>> -> memref<10000xf32, #tpu.memory_space<hbm>>
    %dma_wait3A_42 = arith.constant 0 : i32
    %dma_wait3A_43 = tpu.memref_slice %arg5[%add3A, %dma_wait3A_42] : memref<32x10000xf32, #tpu.memory_space<hbm>> -> memref<1x10000xf32, #tpu.memory_space<hbm>>
    %dma_wait3A_44 = tpu.memref_squeeze %dma_wait3A_43 : memref<1x10000xf32, #tpu.memory_space<hbm>> -> memref<10000xf32, #tpu.memory_space<hbm>>
    tpu.wait_dma2 semaphore(%arg10 : memref<!tpu.dma_semaphore, #tpu.memory_space<semaphore_mem>>) src(%arg9 : memref<10000xf32, #tpu.memory_space<vmem>>) dst(%dma_wait3A_44 : memref<10000xf32, #tpu.memory_space<hbm>>)
    return
  }
}

module attributes {stable_mosaic.version = 14 : i64} {
  func.func @body(%arg0: i32, %arg1: memref<2000x128xf32, #tpu.memory_space<vmem>>, %arg2: memref<128x128xf32, #tpu.memory_space<vmem>>, %arg3: memref<2000x32xf32, #tpu.memory_space<vmem>>, %arg4: memref<2000x128xf32, #tpu.memory_space<vmem>>, %arg5: memref<2000x128xf32, #tpu.memory_space<vmem>>) attributes {dimension_semantics = [#tpu.dimension_semantics<arbitrary>], iteration_bounds = array<i64: 5>, scalar_prefetch = 0 : i64, scratch_operands = 0 : i64, tpu.core_type = #tpu.core_type<tc>, window_params = [{transform_indices = @transform_0, window_bounds = array<i64: 2000, 128>}, {pipeline_mode = #tpu.pipeline_mode<synchronous>, transform_indices = @transform_1, window_bounds = array<i64: 128, 128>}, {transform_indices = @transform_2, window_bounds = array<i64: 2000, 32>}, {transform_indices = @transform_3, window_bounds = array<i64: 2000, 128>}, {transform_indices = @transform_4, window_bounds = array<i64: 2000, 128>}]} {
    %get3A = arith.constant 0 : index
    %get3A_0 = arith.constant 0 : index
    %get3A_1 = vector.load %arg1[%get3A, %get3A_0] : memref<2000x128xf32, #tpu.memory_space<vmem>>, vector<2000x128xf32>
    %get3A_2 = arith.constant 0 : index
    %get3A_3 = arith.constant 0 : index
    %get3A_4 = vector.load %arg2[%get3A_2, %get3A_3] : memref<128x128xf32, #tpu.memory_space<vmem>>, vector<128x128xf32>
    %dot_general3A = arith.constant dense<0.000000e+00> : vector<2000x128xf32>
    %dot_general3A_5 = tpu.matmul %get3A_1, %get3A_4, %dot_general3A {dimension_numbers = #tpu.dot_dimension_numbers<[1], [1], [0], [0], [0, 0, 1, 0], [], []>, transpose_lhs_hint = false} : vector<2000x128xf32>, vector<128x128xf32>, vector<2000x128xf32> -> vector<2000x128xf32>
    %get3A_6 = arith.constant 0 : index
    %get3A_7 = arith.constant 0 : index
    %get3A_8 = vector.load %arg3[%get3A_6, %get3A_7] : memref<2000x32xf32, #tpu.memory_space<vmem>>, vector<2000x32xf32>
    %reduce_sum3A = arith.constant dense<0.000000e+00> : vector<2000xf32>
    %reduce_sum3A_9 = vector.multi_reduction <add>, %get3A_8, %reduce_sum3A [1] : vector<2000x32xf32> to vector<2000xf32>
    %broadcast_in_dim3A = vector.shape_cast %reduce_sum3A_9 : vector<2000xf32> to vector<2000x1xf32>
    %max3A = arith.constant 1.000000e+00 : f32
    %max3A_10 = vector.broadcast %max3A : f32 to vector<2000x1xf32>
    %max3A_11 = arith.maximumf %broadcast_in_dim3A, %max3A_10 : vector<2000x1xf32>
    %rsqrt3A = math.rsqrt %max3A_11 : vector<2000x1xf32>
    %swap3A = arith.constant 0 : index
    %swap3A_12 = arith.constant 0 : index
    %swap3A_13 = vector.load %arg4[%swap3A, %swap3A_12] : memref<2000x128xf32, #tpu.memory_space<vmem>>, vector<2000x128xf32>
    tpu.vector_store %arg4[%swap3A, %swap3A_12], %dot_general3A_5 {strides = array<i32>} : memref<2000x128xf32, #tpu.memory_space<vmem>>, vector<2000x128xf32>,
    %mul3A = vector.broadcast %rsqrt3A : vector<2000x1xf32> to vector<2000x128xf32>
    %mul3A_14 = arith.mulf %dot_general3A_5, %mul3A : vector<2000x128xf32>
    %swap3A_15 = arith.constant 0 : index
    %swap3A_16 = arith.constant 0 : index
    %swap3A_17 = vector.load %arg5[%swap3A_15, %swap3A_16] : memref<2000x128xf32, #tpu.memory_space<vmem>>, vector<2000x128xf32>
    tpu.vector_store %arg5[%swap3A_15, %swap3A_16], %mul3A_14 {strides = array<i32>} : memref<2000x128xf32, #tpu.memory_space<vmem>>, vector<2000x128xf32>,
    return
  }
  func.func @transform_0(%arg0: i32) -> (i32, i32) {
    %c0_i32 = arith.constant 0 : i32
    %c0_i32_0 = arith.constant 0 : i32
    return %arg0, %c0_i32 : i32, i32
  }
  func.func @transform_1(%arg0: i32) -> (i32, i32) {
    %c0_i32 = arith.constant 0 : i32
    %c0_i32_0 = arith.constant 0 : i32
    %c0_i32_1 = arith.constant 0 : i32
    return %c0_i32, %c0_i32_0 : i32, i32
  }
  func.func @transform_2(%arg0: i32) -> (i32, i32) {
    %c0_i32 = arith.constant 0 : i32
    %c0_i32_0 = arith.constant 0 : i32
    return %arg0, %c0_i32 : i32, i32
  }
  func.func @transform_3(%arg0: i32) -> (i32, i32) {
    %c0_i32 = arith.constant 0 : i32
    %c0_i32_0 = arith.constant 0 : i32
    return %arg0, %c0_i32 : i32, i32
  }
  func.func @transform_4(%arg0: i32) -> (i32, i32) {
    %c0_i32 = arith.constant 0 : i32
    %c0_i32_0 = arith.constant 0 : i32
    return %arg0, %c0_i32 : i32, i32
  }
}

module attributes {stable_mosaic.version = 14 : i64} {
  func.func @body(%arg0: i32, %arg1: memref<2x2000x128xf32, #tpu.memory_space<vmem>>, %arg2: memref<2000x128xf32, #tpu.memory_space<vmem>>, %arg3: memref<2000x32xf32, #tpu.memory_space<vmem>>, %arg4: memref<1x128xf32, #tpu.memory_space<vmem>>, %arg5: memref<2000x128xf32, #tpu.memory_space<vmem>>) attributes {dimension_semantics = [#tpu.dimension_semantics<arbitrary>], iteration_bounds = array<i64: 5>, scalar_prefetch = 0 : i64, scratch_operands = 0 : i64, tpu.core_type = #tpu.core_type<tc>, window_params = [{transform_indices = @transform_0, window_bounds = array<i64: 2, 2000, 128>}, {transform_indices = @transform_1, window_bounds = array<i64: 2000, 128>}, {transform_indices = @transform_2, window_bounds = array<i64: 2000, 32>}, {pipeline_mode = #tpu.pipeline_mode<synchronous>, transform_indices = @transform_3, window_bounds = array<i64: 1, 128>}, {transform_indices = @transform_4, window_bounds = array<i64: 2000, 128>}]} {
    %get3A = arith.constant 0 : index
    %get3A_0 = arith.constant 0 : index
    %get3A_1 = arith.constant 0 : index
    %get3A_2 = vector.load %arg1[%get3A, %get3A_0, %get3A_1] : memref<2x2000x128xf32, #tpu.memory_space<vmem>>, vector<1x2000x128xf32>
    %get3A_3 = vector.shape_cast %get3A_2 : vector<1x2000x128xf32> to vector<2000x128xf32>
    %get3A_4 = arith.constant 1 : index
    %get3A_5 = arith.constant 0 : index
    %get3A_6 = arith.constant 0 : index
    %get3A_7 = vector.load %arg1[%get3A_4, %get3A_5, %get3A_6] : memref<2x2000x128xf32, #tpu.memory_space<vmem>>, vector<1x2000x128xf32>
    %get3A_8 = vector.shape_cast %get3A_7 : vector<1x2000x128xf32> to vector<2000x128xf32>
    %add3A = arith.addf %get3A_3, %get3A_8 : vector<2000x128xf32>
    %get3A_9 = arith.constant 0 : index
    %get3A_10 = arith.constant 0 : index
    %get3A_11 = vector.load %arg3[%get3A_9, %get3A_10] : memref<2000x32xf32, #tpu.memory_space<vmem>>, vector<2000x32xf32>
    %reduce_sum3A = arith.constant dense<0.000000e+00> : vector<2000xf32>
    %reduce_sum3A_12 = vector.multi_reduction <add>, %get3A_11, %reduce_sum3A [1] : vector<2000x32xf32> to vector<2000xf32>
    %broadcast_in_dim3A = vector.shape_cast %reduce_sum3A_12 : vector<2000xf32> to vector<2000x1xf32>
    %max3A = arith.constant 1.000000e+00 : f32
    %max3A_13 = vector.broadcast %max3A : f32 to vector<2000x1xf32>
    %max3A_14 = arith.maximumf %broadcast_in_dim3A, %max3A_13 : vector<2000x1xf32>
    %rsqrt3A = math.rsqrt %max3A_14 : vector<2000x1xf32>
    %gt3A = arith.constant 0.000000e+00 : f32
    %gt3A_15 = vector.broadcast %gt3A : f32 to vector<2000x1xf32>
    %gt3A_16 = arith.cmpf ogt, %broadcast_in_dim3A, %gt3A_15 : vector<2000x1xf32>
    %get3A_17 = arith.constant 0 : index
    %get3A_18 = arith.constant 0 : index
    %get3A_19 = vector.load %arg2[%get3A_17, %get3A_18] : memref<2000x128xf32, #tpu.memory_space<vmem>>, vector<2000x128xf32>
    %jit3A = arith.constant 0.000000e+00 : f32
    %broadcast_in_dim3A_20 = vector.shape_cast %gt3A_16 : vector<2000x1xi1> to vector<2000x1xi1>
    %broadcast_in_dim3A_21 = vector.broadcast %broadcast_in_dim3A_20 : vector<2000x1xi1> to vector<2000x128xi1>
    %broadcast_in_dim3A_22 = vector.broadcast %jit3A : f32 to vector<2000x128xf32>
    %select_n3A = arith.select %broadcast_in_dim3A_21, %broadcast_in_dim3A_22, %get3A_19 : vector<2000x128xi1>, vector<2000x128xf32>
    %mul3A = vector.broadcast %rsqrt3A : vector<2000x1xf32> to vector<2000x128xf32>
    %mul3A_23 = arith.mulf %add3A, %mul3A : vector<2000x128xf32>
    %add3A_24 = arith.addf %mul3A_23, %select_n3A : vector<2000x128xf32>
    %get3A_25 = arith.constant 0 : index
    %get3A_26 = arith.constant 0 : index
    %get3A_27 = vector.load %arg4[%get3A_25, %get3A_26] : memref<1x128xf32, #tpu.memory_space<vmem>>, vector<1x128xf32>
    %add3A_28 = vector.broadcast %get3A_27 : vector<1x128xf32> to vector<2000x128xf32>
    %add3A_29 = arith.addf %add3A_24, %add3A_28 : vector<2000x128xf32>
    %max3A_30 = arith.constant 0.000000e+00 : f32
    %max3A_31 = vector.broadcast %max3A_30 : f32 to vector<2000x128xf32>
    %max3A_32 = arith.maximumf %add3A_29, %max3A_31 : vector<2000x128xf32>
    %swap3A = arith.constant 0 : index
    %swap3A_33 = arith.constant 0 : index
    %swap3A_34 = vector.load %arg5[%swap3A, %swap3A_33] : memref<2000x128xf32, #tpu.memory_space<vmem>>, vector<2000x128xf32>
    tpu.vector_store %arg5[%swap3A, %swap3A_33], %max3A_32 {strides = array<i32>} : memref<2000x128xf32, #tpu.memory_space<vmem>>, vector<2000x128xf32>,
    return
  }
  func.func @transform_0(%arg0: i32) -> (i32, i32, i32) {
    %c0_i32 = arith.constant 0 : i32
    %c0_i32_0 = arith.constant 0 : i32
    %c0_i32_1 = arith.constant 0 : i32
    return %c0_i32, %arg0, %c0_i32_0 : i32, i32, i32
  }
  func.func @transform_1(%arg0: i32) -> (i32, i32) {
    %c0_i32 = arith.constant 0 : i32
    %c0_i32_0 = arith.constant 0 : i32
    return %arg0, %c0_i32 : i32, i32
  }
  func.func @transform_2(%arg0: i32) -> (i32, i32) {
    %c0_i32 = arith.constant 0 : i32
    %c0_i32_0 = arith.constant 0 : i32
    return %arg0, %c0_i32 : i32, i32
  }
  func.func @transform_3(%arg0: i32) -> (i32, i32) {
    %c0_i32 = arith.constant 0 : i32
    %c0_i32_0 = arith.constant 0 : i32
    %c0_i32_1 = arith.constant 0 : i32
    return %c0_i32, %c0_i32_0 : i32, i32
  }
  func.func @transform_4(%arg0: i32) -> (i32, i32) {
    %c0_i32 = arith.constant 0 : i32
    %c0_i32_0 = arith.constant 0 : i32
    return %arg0, %c0_i32 : i32, i32
  }
}

</mosaic_0001>

<sc_bundles>
// kernel: kernel.6.cloned.1.call-start
scs
__scs_entry_jumppad:
0x0: {  	(pc) =	sbr.rel $0x88, $3  }
0x1: {  	(tag) =	ssettag $0x0;
	lr =	simm.s32 $0x1  }
0x2: {  	[smem:$0x3F9D] =	sst lr;
	_ =	strace $0xD0000000  }
0x3: {  	_ = 	snop  }
0x4: {  	_ = 	snop  }
0x5: {  	_ = 	snop  }
0x6: {  	_ = 	snop  }
0x7: {  	_ = 	snop  }
__scs_overlays_trampoline_lowered:
0x8: {  	[smem:$0x3FAC] =	sst s0  }
0x9: {  	[smem:$0x3FAD] =	sst s1  }
0xa: {  	[smem:$0x3FAE] =	sst s2  }
0xb: {  	[smem:$0x3FAF] =	sst s3  }
0xc: {  	[smem:$0x3FB0] =	sst s4  }
0xd: {  	[smem:$0x3FB1] =	sst s5  }
0xe: {  	[smem:$0x3FB2] =	sst s6  }
0xf: {  	[smem:$0x3FB3] =	sst s7  }
0x10: {  	[smem:$0x3FB4] =	sst s8  }
0x11: {  	[smem:$0x3FB5] =	sst s9;
	s0 =	simm.s32 @!p0 $0x0  }
0x12: {  	s1 =	sld [smem:$0x3F9B];
	s0 =	simm.s32 @p0 $0x1  }
0x13: {  	[smem:$0x3FB6] =	sst s0;
	s0 =	simm.s32 @!p1 $0x0  }
0x14: {  	s2 =	sld [smem:$0x3F9A];
	s0 =	simm.s32 @p1 $0x1  }
0x15: {  	[smem:$0x3FB7] =	sst s0;
	s0 =	simm.s32 @!p2 $0x0  }
0x16: {  	s3 =	sld [smem:$0x3FDB];
	s0 =	simm.s32 @p2 $0x1  }
0x17: {  	s4 =	simm.s32 $0x1BF5;
	[smem:$0x3FB9] =	sst s0  }
0x18: {  	s0 =	sld [smem:$0x3F9C];
	_ =	swait.ge [sflag:s4], $0x0  }
0x19: {  	s7 =	sld [smem:$0x3F9D]  }
0x1a: {  	s8 =	sadd.s32 $0xFFFFE003, lr  }
0x1b: {  	s9 =	sadd.s32 $0xFFFFFEF7, lr;
	s5 =	simm.s32 $0xFFFFFFFF;
	p2 =	slt.u32 s8, $0xFFFFF086  }
0x1c: {  	p1 =	slt.u32 s9, $0xF7A;
	s5 =	simm.s32 @!p2 $0x0  }
0x1d: {  	s5 =	simm.s32 @p1 $0x1;
	p0 =	seq.s32 s7, s2  }
0x1e: {  	s7 =	smul.u32 @!p0 $0xF7A, s2;
	p2 =	seq.s32 @!p0 s5, $0x0  }
0x1f: {  	s9 =	smul.u32 $0xF7A, s1;
	s8 =	simm.s32 @!p0 $0x1BF5;
	p2 =	por !p2, p0  }
0x20: {  	[sflag:s8] =	ssyncset.s32 @!p0 $0xFFFFF086;
	s6 =	sadd.s32 @!p0 s3, s7;
	s7 =	simm.s32 @!p0 $0x108  }
0x21: {  	s3 =	sadd.s32 s3, s9;
	s6 =	sadd.s32 @!p0 $0x88, s6;
	s7 =	simm.s32 @p2 $0x1082  }
0x22: {  	[simem:s7], [sflag:s8] =	dma.local @!p0 [hbm:s6], $0xF7A  }
0x23: {  	s9 =	sor.u32 $0xD0000000, s2;
	s6 =	simm.s32 $0x108;
	_ =	swait.ge @!p0 [sflag:s8], $0x0  }
0x24: {  	s3 =	sadd.s32 $0x88, s3;
	s6 =	simm.s32 @!p1 $0x1082;
	[sflag:s4] =	ssyncset.s32 $0xFFFFF086  }
0x25: {  	[simem:s6], [sflag:s4] =	dma.local [hbm:s3], $0xF7A  }
0x26: {  	[smem:$0x3F9D] =	sst s1;
	(tag) =	ssettag s2;
	_ =	strace s9  }
0x27: {  	s1 =	sld [smem:$0x3FAD]  }
0x28: {  	s2 =	sld [smem:$0x3FAE]  }
0x29: {  	s4 =	sld [smem:$0x3FB0]  }
0x2a: {  	p0 =	seq.s32 s5, $0x0;
	s5 =	sld [smem:$0x3FB1]  }
0x2b: {  	s6 =	sld [smem:$0x3FB2]  }
0x2c: {  	s7 =	sld [smem:$0x3FB3]  }
0x2d: {  	s3 =	simm.s32 $0x108;
	s8 =	sld [smem:$0x3FB4]  }
0x2e: {  	s3 =	simm.s32 @!p0 $0x1082;
	s9 =	sld [smem:$0x3FB5]  }
0x2f: {  	lr =	sadd.s32 s0, s3;
	s0 =	sld [smem:$0x3FAC]  }
0x30: {  	s3 =	sld [smem:$0x3FAF]  }
0x31: {  	[smem:$0x3FB8] =	sst s10  }
0x32: {  	s10 =	sld [smem:$0x3FB6];
	_ =	sdelay $0x3  }
0x33: {  	p0 =	seq.s32 s10, $0x1;
	s10 =	sld [smem:$0x3FB8];
	_ =	sdelay $0x3  }
0x34: {  	[smem:$0x3FB8] =	sst s10  }
0x35: {  	s10 =	sld [smem:$0x3FB7];
	_ =	sdelay $0x3  }
0x36: {  	p1 =	seq.s32 s10, $0x1;
	s10 =	sld [smem:$0x3FB8];
	_ =	sdelay $0x3  }
0x37: {  	[smem:$0x3FB8] =	sst s10  }
0x38: {  	s10 =	sld [smem:$0x3FB9]  }
0x39: {  	_ = 	snop;
	(pc) =	sbr.ind lr, $3  }
0x3a: {  	_ = 	snop  }
0x3b: {  	_ = 	snop  }
0x3c: {  	p2 =	seq.s32 s10, $0x1;
	s10 =	sld [smem:$0x3FB8]  }
0x3d: {  	_ =	shalt  }
0x3e: {  	_ =	shalt  }
0x3f: {  	_ =	shalt  }
0x40: {  	_ =	shalt  }
0x41: {  	_ =	shalt  }
0x42: {  	_ =	shalt  }
0x43: {  	_ =	shalt  }
0x44: {  	_ =	shalt  }
0x45: {  	_ =	shalt  }
0x46: {  	_ =	shalt  }
0x47: {  	_ =	shalt  }
0x48: {  	_ =	shalt  }
0x49: {  	_ =	shalt  }
0x4a: {  	_ =	shalt  }
0x4b: {  	_ =	shalt  }
0x4c: {  	_ =	shalt  }
0x4d: {  	_ =	shalt  }
0x4e: {  	_ =	shalt  }
0x4f: {  	_ =	shalt  }
0x50: {  	_ =	shalt  }
0x51: {  	_ =	shalt  }
0x52: {  	_ =	shalt  }
0x53: {  	_ =	shalt  }
0x54: {  	_ =	shalt  }
0x55: {  	_ =	shalt  }
0x56: {  	_ =	shalt  }
0x57: {  	_ =	shalt  }
0x58: {  	_ =	shalt  }
0x59: {  	_ =	shalt  }
0x5a: {  	_ =	shalt  }
0x5b: {  	_ =	shalt  }
0x5c: {  	_ =	shalt  }
0x5d: {  	_ =	shalt  }
0x5e: {  	_ =	shalt  }
0x5f: {  	_ =	shalt  }
0x60: {  	_ =	shalt  }
0x61: {  	_ =	shalt  }
0x62: {  	_ =	shalt  }
0x63: {  	_ =	shalt  }
0x64: {  	_ =	shalt  }
0x65: {  	_ =	shalt  }
0x66: {  	_ =	shalt  }
0x67: {  	_ =	shalt  }
0x68: {  	_ =	shalt  }
0x69: {  	_ =	shalt  }
0x6a: {  	_ =	shalt  }
0x6b: {  	_ =	shalt  }
0x6c: {  	_ =	shalt  }
0x6d: {  	_ =	shalt  }
0x6e: {  	_ =	shalt  }
0x6f: {  	_ =	shalt  }
0x70: {  	_ =	shalt  }
0x71: {  	_ =	shalt  }
0x72: {  	_ =	shalt  }
0x73: {  	_ =	shalt  }
0x74: {  	_ =	shalt  }
0x75: {  	_ =	shalt  }
0x76: {  	_ =	shalt  }
0x77: {  	_ =	shalt  }
0x78: {  	_ =	shalt  }
0x79: {  	_ =	shalt  }
0x7a: {  	_ =	shalt  }
0x7b: {  	_ =	shalt  }
0x7c: {  	_ =	shalt  }
0x7d: {  	_ =	shalt  }
0x7e: {  	_ =	shalt  }
0x7f: {  	_ =	shalt  }
0x80: {  	_ =	shalt  }
0x81: {  	_ =	shalt  }
0x82: {  	_ =	shalt  }
0x83: {  	_ =	shalt  }
0x84: {  	_ =	shalt  }
0x85: {  	_ =	shalt  }
0x86: {  	_ =	shalt  }
0x87: {  	_ =	shalt  }
.Lfunc_end0:
.L_simem_size_0:
called_computation_lowered:
.L_overlay_start_0:
0x88: {  	s2 =	sld [smem:$0x3FD9]  }
0x89: {  	s3 =	sld [smem:$0x3FFE];
	_ =	sdelay $0x1  }
0x8a: {  	s1 =	srdreg.scid  }
0x8b: {  	s0 =	sand.u32 $0x1, s1  }
0x8c: {  	s17 =	sshll.u32 s0, $0xA;
	s2 =	sadd.s32 s3, s2  }
0x8d: {  	s2 =	sadd.s32 s2, s17  }
0x8e: {  	[smem:$0x3FC4] =	sst s2  }
0x8f: {  	_ = 	snop  }
0x90: {  	s2 =	sld [smem:$0x3FD0];
	(tm) =	ssettm $0x1  }
0x91: {  	s18 =	sld [smem:$0x3FFB];
	_ =	sdelay $0x3  }
0x92: {  	_ =	strace s18  }
0x93: {  	s3 =	sld [smem:$0x3FFC];
	_ =	sdelay $0x3  }
0x94: {  	_ =	strace s3  }
0x95: {  	s3 =	sld [smem:$0x3FFD];
	_ =	sdelay $0x3  }
0x96: {  	_ =	strace s3  }
0x97: {  	_ =	strace $0x8FFFFFFF  }
0x98: {  	s19 =	sld [smem:$0x3FDB];
	_ =	sdelay $0x1  }
0x99: {  	s4 =	simm.s32 $_scs_section_size  }
0x9a: {  	s5 =	simm.s32 $_size__tile_overlayer_lowered;
	s6 =	simm.s32 $_tile_overlayer_lowered  }
0x9b: {  	s22 =	simm.s32 $0x1BFF;
	s21 =	sshll.u32 s6, $0x1;
	s3 =	sadd.s32 s4, s19  }
0x9c: {  	s7 =	simm.s32 $0x0;
	s20 =	sshll.u32 s5, $0x1;
	s5 =	sadd.s32 s21, s3  }
0x9d: {  	[timem:s7], [sflag:s22] =	dma.local [hbm:s5], s20  }
0x9e: {  	_ =	swait.ge [sflag:s22], s20  }
0x9f: {  	s4 =	ssub.s32 $0x0, s20;
	[sflag:s22] =	ssyncset.done $0x0  }
0xa0: {  	[sflag:s22] =	ssyncadd.s32 s4;
	_ =	sdelay $0x1  }
0xa1: {  	s23 =	simm.s32 $0x1B8B  }
0xa2: {  	_ =	swait.ge [sflag:s23], $0x1  }
0xa3: {  	[sflag:s23] =	ssyncset.done $0x0  }
0xa4: {  	s25 =	simm.s32 $0x1B8E;
	s24 =	sld [smem:$0x3FFE];
	[sflag:s23] =	ssyncadd.s32 $0xFFFFFFFF  }
0xa5: {  	s26 =	simm.s32 $execute0_lowered;
	[smem:$0x3FD2] =	sst s25  }
0xa6: {  	s5 =	sshll.u32 s26, $0x1;
	_ =	strace $0x80000046;
	[dreg:$0x1] =	wrdreg $0xFFFFFFFF  }
0xa7: {  	s28 =	simm.s32 $_size_execute0_lowered;
	s3 =	sadd.s32 s3, s5;
	[dreg:$0x0] =	wrdreg $0x0  }
0xa8: {  	s5 =	sshll.u32 s28, $0x1;
	[dreg:$0x2] =	wrdreg s3  }
0xa9: {  	[dreg:$0x3] =	wrdreg s5  }
0xaa: {  	[dreg:$0x4] =	wrdreg $0xC0  }
0xab: {  	_ =	task [dreg:s7], $0x5FFFF  }
0xac: {  	[dreg:$0x1] =	wrdreg $0xFFFFFFFF  }
0xad: {  	[dreg:$0x0] =	wrdreg $0x60  }
0xae: {  	[dreg:$0x2] =	wrdreg s24  }
0xaf: {  	[dreg:$0x3] =	wrdreg s2  }
0xb0: {  	[dreg:$0x4] =	wrdreg $0x9  }
0xb1: {  	_ =	task.clear_ibuf [dreg:s7], $0x5FFFF;
	_ =	strace $0x90000046  }
0xb2: {  	s29 =	simm.s32 $0x9;
	_ =	strace $0x80000048  }
0xb3: {  	_ =	swait.ge [sflag:s29], $0x1  }
0xb4: {  	[sflag:s29] =	ssyncadd.s32 $0xFFFFFFFF  }
0xb5: {  	_ =	strace $0x90000048  }
0xb6: {  	_ =	sfence  }
0xb7: {  	s30 =	sld [smem:$0x0];
	_ =	sdelay $0x2  }
0xb8: {  	s31 =	sshll.u32 s1, $0xD;
	s1 =	sshrl.u32 s1, $0x2  }
0xb9: {  	s3 =	sand.u32 $0x4000, s31;
	s1 =	sadd.s32 s1, s30  }
0xba: {  	s0 =	sor.u32 s3, s0;
	s1 =	sshll.u32 s1, $0x11  }
0xbb: {  	s0 =	sor.u32 s1, s0  }
0xbc: {  	s0 =	sadd.s32 $0x8F2B, s0  }
0xbd: {  	[sflag:s0] =	ssyncadd.remote.s32 $0x1  }
0xbe: {  	_ =	sfence.sel $0xFFFF  }
0xbf: {  	[dreg:$0x0] =	wrdreg $0xFFFFFFFF;
	(pc) =	sbr.abs _section_cstart, $3  }
0xc0: {  	[dreg:$0x1] =	wrdreg $0xFFFFFFFF  }
0xc1: {  	_ =	task.clear_ibuf [dreg:s7], $0x2FFFF;
	_ =	strace $0x9FFFFFFF  }
0xc2: {  	(tm) =	ssettm $0x7FFFFFFF  }
0xc3: {  	_ =	shalt  }
tec
execute0_lowered:
.L_overlay_start_1:
0x0: {  	(tag) =	ssettag $0x1  }
0x1: {  	s0 =	srdreg.scid;
	s4 =	rddreg [dreg:$0x0]  }
0x2: {  	s5 =	rddreg [dreg:$0x1];
	s2 =	simm.s32 $0x0;
	s3 =	sand.u32 $0x1, s0  }
0x3: {  	s10 =	simm.s32 $0x4F00;
	s0 =	stileid.u32;
	s1 =	sshll.u32 s3, $0x4  }
0x4: {  	s11 =	simm.s32 $0x7680;
	s12 =	simm.s32 $0x80;
	s6 =	sor.u32 s0, s1  }
0x5: {  	s13 =	simm.s32 $0x400;
	s14 =	simm.s32 $0x0;
	s7 =	sshrl.u32 s6, $0x3  }
0x6: {  	[smem:$0x7FF] =	sst s2;
	s8 =	sshll.u32 s0, $0x7;
	s7 =	smul.u32 $0x13C00, s7  }
0x7: {  	s3 =	ssub.s32 $0x2, s3;
	s8 =	sand.u32 $0x380, s8;
	s6 =	smul.u32 $0x4E2, s6  }
0x8: {  	s1 =	rddreg [dreg:$0x2];
	_ =	strace $0x80000047;
	s7 =	sor.u32 s8, s7  }
0x9: {  	s31 =	sshrl.u32 s3, $0x1;
	s6 =	sadd.s32 s6, s4;
	s7 =	sshrl.u32 s7, $0x3  }
0xa: {  	s8 =	ssub.s32 s3, s31;
	s3 =	sadd.s32 $0xB600, s6;
	s9 =	sadd.s32 s7, s4  }
0xb: {  	s4 =	sadd.s32 $0x1800, s6;
	s5 =	sadd.s32 s5, s7;
	s7 =	smax.u32 s8, $0x1  }
0xc: {  	v0 =	vimm.f32 $0.0e+00;
	v1 =	vimm.f32 $1.000000000e+00;
	s8 =	simm.s32 $0x1;
	s6 =	sadd.s32 $0x15400, s9;
	s9 =	simm.s32 $0x2780  }
.LBB2_1:
0xd: {  	[tilespmem:s2], [sflag:$0x1] =	stream.linear.gather [hbm4b:s3+s2], $0x2710, $0x38;
	[tilespmem:$0x9E00] =	vst v63  }
0xe: {  	_ =	swait.ge [sflag:s8], $0x2710  }
0xf: {  	[sflag:s8] =	ssyncset.done $0x0  }
0x10: {  	[sflag:s8] =	ssyncadd.s32 $0xFFFFD8F0  }
0x11: {  	[tilespmem:s9], [sflag:$0x1] =	stream.linear.gather [hbm4b:s4+s2], $0x2710, $0x38;
	[tilespmem:$0x9E00] =	vst v63  }
0x12: {  	_ =	swait.ge [sflag:s8], $0x2710  }
0x13: {  	[sflag:s8] =	ssyncset.done $0x0  }
0x14: {  	s15 =	simm.s32 $0x0;
	[sflag:s8] =	ssyncadd.s32 $0xFFFFD8F0  }
.LBB2_2:
0x15: {  	p0 =	sne.s32 s15, $0x9C00  }
.Ltmp0:
0x16: {  	_ = 	snop;
	(pc) =	sbr.rel @p0 .LBB2_2-.Ltmp0, $4  }
0x17: {  	_ = 	snop  }
0x18: {  	s16 =	sshra.s32 s15, $0x2  }
0x19: {  	[tilespmem:s16+$0x4F00] =	vst v0  }
0x1a: {  	s15 =	sadd.s32 $0x40, s15;
	[tilespmem:s16+$0x7680] =	vst v0  }
0x1b: {  	s16 =	simm.s32 $0x0;
	s15 =	simm.s32 $0x40  }
.LBB2_4:
0x1c: {  	p0 =	sne.s32 s15, $0x9C00;
	v2 =	vld [tilespmem:s16+$0x0];
	_ =	sdelay $0x7  }
0x1d: {  	[tilespmem:v2+s10+$0x0] =	vst.idx.add.f32.msk $0xffff, v1  }
0x1e: {  	v2 =	vld [tilespmem:s16+$0x2780];
	_ =	sdelay $0x3  }
.Ltmp1:
0x1f: {  	(pc) =	sbr.rel @p0 .LBB2_4-.Ltmp1, $2  }
0x20: {  	_ =	sdelay $0x2  }
0x21: {  	s16 =	sshra.s32 s15, $0x2;
	s15 =	sadd.s32 $0x40, s15;
	[tilespmem:v2+s11+$0x0] =	vst.idx.add.f32.msk $0xffff, v1  }
0x22: {  	v2 =	vld [tilespmem:s16+$0x0];
	_ =	sdelay $0x7  }
0x23: {  	[tilespmem:v2+s10+$0x0] =	vst.idx.add.f32.msk $0xffff, v1  }
0x24: {  	v2 =	vld [tilespmem:s16+$0x2780];
	_ =	sdelay $0x7  }
0x25: {  	[tilespmem:v2+s11+$0x0] =	vst.idx.add.f32.msk $0xffff, v1  }
0x26: {  	[hbm4b:s5+s12] =	stream.strided.scatter [tilespmem:s10], [sflag:$0x1], $0x2780, s13, s12, $0x38;
	[tilespmem:$0x9E00] =	vst v63  }
0x27: {  	s14 =	sadd.s32 $0x1, s14;
	_ =	swait.ge [sflag:s8], $0x2780  }
0x28: {  	p0 =	sne.s32 s14, s7;
	[sflag:s8] =	ssyncset.done $0x0  }
.Ltmp2:
0x29: {  	[sflag:s8] =	ssyncadd.s32 $0xFFFFD880;
	(pc) =	sbr.rel @p0 .LBB2_1-.Ltmp2, $4  }
0x2a: {  	[hbm4b:s6+s12] =	stream.strided.scatter [tilespmem:s11], [sflag:$0x1], $0x2780, s13, s12, $0x38;
	[tilespmem:$0x9E00] =	vst v63  }
0x2b: {  	_ =	swait.ge [sflag:s8], $0x2780  }
0x2c: {  	[sflag:s8] =	ssyncset.done $0x0  }
0x2d: {  	[sflag:s8] =	ssyncadd.s32 $0xFFFFD880  }
0x2e: {  	_ =	sfence.sel $0x180000  }
0x2f: {  	[bflag:$0x0] =	sbarrier.arrive $0xFFFF  }
0x30: {  	p0 =	sne.s32 s0, $0x0;
	_ =	strace $0x90000047  }
0x31: {  	s0 =	sadd.s32 @!p0 $0x100000, s1;
	[bflag:$0x2] =	sbarrier.arrive $0xFFFF  }
0x32: {  	[sflag:s0] =	ssyncadd.tile.s32 @!p0 $0x1;
	_ =	shalt  }
.Lfunc_end2:
_tile_overlayer_lowered:
.L_overlay_start_2:
0x33: {  	(tag) =	ssettag $0x2  }
0x34: {  	s0 =	rddreg [dreg:$0x0];
	s2 =	stileid.u32  }
0x35: {  	s1 =	rddreg [dreg:$0x1];
	p0 =	sne.s32 s2, $0x0  }
0x36: {  	s3 =	rddreg [dreg:$0x2];
	[bflag:$0x3] =	sbarrier.arrive $0xFFFF;
	s2 =	simm.s32 @!p0 $0x1C02  }
0x37: {  	[timem:s3], [sflag:s2] =	dma.local @!p0 [hbm:s0], s1  }
0x38: {  	s0 =	simm.s32 @!p0 $0x2  }
0x39: {  	_ =	swait.ge @!p0 [sflag:s0], s1  }
0x3a: {  	s1 =	ssub.s32 @!p0 $0x0, s1;
	[sflag:s0] =	ssyncset.done @!p0 $0x0  }
0x3b: {  	[sflag:s0] =	ssyncadd.s32 @!p0 s1  }
0x3c: {  	[bflag:$0x3] =	sbarrier.arrive $0xFFFF  }
0x3d: {  	_ =	shalt  }

// kernel: kernel.9.cloned.1.call-start
scs
__scs_entry_jumppad:
0x0: {  	(pc) =	sbr.rel $0x88, $3  }
0x1: {  	(tag) =	ssettag $0x0;
	lr =	simm.s32 $0x1  }
0x2: {  	[smem:$0x3F9D] =	sst lr;
	_ =	strace $0xD0000000  }
0x3: {  	_ = 	snop  }
0x4: {  	_ = 	snop  }
0x5: {  	_ = 	snop  }
0x6: {  	_ = 	snop  }
0x7: {  	_ = 	snop  }
__scs_overlays_trampoline_lowered:
0x8: {  	[smem:$0x3FAC] =	sst s0  }
0x9: {  	[smem:$0x3FAD] =	sst s1  }
0xa: {  	[smem:$0x3FAE] =	sst s2  }
0xb: {  	[smem:$0x3FAF] =	sst s3  }
0xc: {  	[smem:$0x3FB0] =	sst s4  }
0xd: {  	[smem:$0x3FB1] =	sst s5  }
0xe: {  	[smem:$0x3FB2] =	sst s6  }
0xf: {  	[smem:$0x3FB3] =	sst s7  }
0x10: {  	[smem:$0x3FB4] =	sst s8  }
0x11: {  	[smem:$0x3FB5] =	sst s9;
	s0 =	simm.s32 @!p0 $0x0  }
0x12: {  	s1 =	sld [smem:$0x3F9B];
	s0 =	simm.s32 @p0 $0x1  }
0x13: {  	[smem:$0x3FB6] =	sst s0;
	s0 =	simm.s32 @!p1 $0x0  }
0x14: {  	s2 =	sld [smem:$0x3F9A];
	s0 =	simm.s32 @p1 $0x1  }
0x15: {  	[smem:$0x3FB7] =	sst s0;
	s0 =	simm.s32 @!p2 $0x0  }
0x16: {  	s3 =	sld [smem:$0x3FDB];
	s0 =	simm.s32 @p2 $0x1  }
0x17: {  	s4 =	simm.s32 $0x1BF5;
	[smem:$0x3FB9] =	sst s0  }
0x18: {  	s0 =	sld [smem:$0x3F9C];
	_ =	swait.ge [sflag:s4], $0x0  }
0x19: {  	s7 =	sld [smem:$0x3F9D]  }
0x1a: {  	s8 =	sadd.s32 $0xFFFFE003, lr  }
0x1b: {  	s9 =	sadd.s32 $0xFFFFFEF7, lr;
	s5 =	simm.s32 $0xFFFFFFFF;
	p2 =	slt.u32 s8, $0xFFFFF086  }
0x1c: {  	p1 =	slt.u32 s9, $0xF7A;
	s5 =	simm.s32 @!p2 $0x0  }
0x1d: {  	s5 =	simm.s32 @p1 $0x1;
	p0 =	seq.s32 s7, s2  }
0x1e: {  	s7 =	smul.u32 @!p0 $0xF7A, s2;
	p2 =	seq.s32 @!p0 s5, $0x0  }
0x1f: {  	s9 =	smul.u32 $0xF7A, s1;
	s8 =	simm.s32 @!p0 $0x1BF5;
	p2 =	por !p2, p0  }
0x20: {  	[sflag:s8] =	ssyncset.s32 @!p0 $0xFFFFF086;
	s6 =	sadd.s32 @!p0 s3, s7;
	s7 =	simm.s32 @!p0 $0x108  }
0x21: {  	s3 =	sadd.s32 s3, s9;
	s6 =	sadd.s32 @!p0 $0x88, s6;
	s7 =	simm.s32 @p2 $0x1082  }
0x22: {  	[simem:s7], [sflag:s8] =	dma.local @!p0 [hbm:s6], $0xF7A  }
0x23: {  	s9 =	sor.u32 $0xD0000000, s2;
	s6 =	simm.s32 $0x108;
	_ =	swait.ge @!p0 [sflag:s8], $0x0  }
0x24: {  	s3 =	sadd.s32 $0x88, s3;
	s6 =	simm.s32 @!p1 $0x1082;
	[sflag:s4] =	ssyncset.s32 $0xFFFFF086  }
0x25: {  	[simem:s6], [sflag:s4] =	dma.local [hbm:s3], $0xF7A  }
0x26: {  	[smem:$0x3F9D] =	sst s1;
	(tag) =	ssettag s2;
	_ =	strace s9  }
0x27: {  	s1 =	sld [smem:$0x3FAD]  }
0x28: {  	s2 =	sld [smem:$0x3FAE]  }
0x29: {  	s4 =	sld [smem:$0x3FB0]  }
0x2a: {  	p0 =	seq.s32 s5, $0x0;
	s5 =	sld [smem:$0x3FB1]  }
0x2b: {  	s6 =	sld [smem:$0x3FB2]  }
0x2c: {  	s7 =	sld [smem:$0x3FB3]  }
0x2d: {  	s3 =	simm.s32 $0x108;
	s8 =	sld [smem:$0x3FB4]  }
0x2e: {  	s3 =	simm.s32 @!p0 $0x1082;
	s9 =	sld [smem:$0x3FB5]  }
0x2f: {  	lr =	sadd.s32 s0, s3;
	s0 =	sld [smem:$0x3FAC]  }
0x30: {  	s3 =	sld [smem:$0x3FAF]  }
0x31: {  	[smem:$0x3FB8] =	sst s10  }
0x32: {  	s10 =	sld [smem:$0x3FB6];
	_ =	sdelay $0x3  }
0x33: {  	p0 =	seq.s32 s10, $0x1;
	s10 =	sld [smem:$0x3FB8];
	_ =	sdelay $0x3  }
0x34: {  	[smem:$0x3FB8] =	sst s10  }
0x35: {  	s10 =	sld [smem:$0x3FB7];
	_ =	sdelay $0x3  }
0x36: {  	p1 =	seq.s32 s10, $0x1;
	s10 =	sld [smem:$0x3FB8];
	_ =	sdelay $0x3  }
0x37: {  	[smem:$0x3FB8] =	sst s10  }
0x38: {  	s10 =	sld [smem:$0x3FB9]  }
0x39: {  	_ = 	snop;
	(pc) =	sbr.ind lr, $3  }
0x3a: {  	_ = 	snop  }
0x3b: {  	_ = 	snop  }
0x3c: {  	p2 =	seq.s32 s10, $0x1;
	s10 =	sld [smem:$0x3FB8]  }
0x3d: {  	_ =	shalt  }
0x3e: {  	_ =	shalt  }
0x3f: {  	_ =	shalt  }
0x40: {  	_ =	shalt  }
0x41: {  	_ =	shalt  }
0x42: {  	_ =	shalt  }
0x43: {  	_ =	shalt  }
0x44: {  	_ =	shalt  }
0x45: {  	_ =	shalt  }
0x46: {  	_ =	shalt  }
0x47: {  	_ =	shalt  }
0x48: {  	_ =	shalt  }
0x49: {  	_ =	shalt  }
0x4a: {  	_ =	shalt  }
0x4b: {  	_ =	shalt  }
0x4c: {  	_ =	shalt  }
0x4d: {  	_ =	shalt  }
0x4e: {  	_ =	shalt  }
0x4f: {  	_ =	shalt  }
0x50: {  	_ =	shalt  }
0x51: {  	_ =	shalt  }
0x52: {  	_ =	shalt  }
0x53: {  	_ =	shalt  }
0x54: {  	_ =	shalt  }
0x55: {  	_ =	shalt  }
0x56: {  	_ =	shalt  }
0x57: {  	_ =	shalt  }
0x58: {  	_ =	shalt  }
0x59: {  	_ =	shalt  }
0x5a: {  	_ =	shalt  }
0x5b: {  	_ =	shalt  }
0x5c: {  	_ =	shalt  }
0x5d: {  	_ =	shalt  }
0x5e: {  	_ =	shalt  }
0x5f: {  	_ =	shalt  }
0x60: {  	_ =	shalt  }
0x61: {  	_ =	shalt  }
0x62: {  	_ =	shalt  }
0x63: {  	_ =	shalt  }
0x64: {  	_ =	shalt  }
0x65: {  	_ =	shalt  }
0x66: {  	_ =	shalt  }
0x67: {  	_ =	shalt  }
0x68: {  	_ =	shalt  }
0x69: {  	_ =	shalt  }
0x6a: {  	_ =	shalt  }
0x6b: {  	_ =	shalt  }
0x6c: {  	_ =	shalt  }
0x6d: {  	_ =	shalt  }
0x6e: {  	_ =	shalt  }
0x6f: {  	_ =	shalt  }
0x70: {  	_ =	shalt  }
0x71: {  	_ =	shalt  }
0x72: {  	_ =	shalt  }
0x73: {  	_ =	shalt  }
0x74: {  	_ =	shalt  }
0x75: {  	_ =	shalt  }
0x76: {  	_ =	shalt  }
0x77: {  	_ =	shalt  }
0x78: {  	_ =	shalt  }
0x79: {  	_ =	shalt  }
0x7a: {  	_ =	shalt  }
0x7b: {  	_ =	shalt  }
0x7c: {  	_ =	shalt  }
0x7d: {  	_ =	shalt  }
0x7e: {  	_ =	shalt  }
0x7f: {  	_ =	shalt  }
0x80: {  	_ =	shalt  }
0x81: {  	_ =	shalt  }
0x82: {  	_ =	shalt  }
0x83: {  	_ =	shalt  }
0x84: {  	_ =	shalt  }
0x85: {  	_ =	shalt  }
0x86: {  	_ =	shalt  }
0x87: {  	_ =	shalt  }
.Lfunc_end0:
.L_simem_size_0:
called_computation.1_lowered:
.L_overlay_start_0:
0x88: {  	s2 =	sld [smem:$0x3FD9]  }
0x89: {  	s3 =	sld [smem:$0x3FFE];
	_ =	sdelay $0x1  }
0x8a: {  	s1 =	srdreg.scid  }
0x8b: {  	s0 =	sand.u32 $0x1, s1  }
0x8c: {  	s17 =	sshll.u32 s0, $0xA;
	s2 =	sadd.s32 s3, s2  }
0x8d: {  	s2 =	sadd.s32 s2, s17  }
0x8e: {  	[smem:$0x3FC4] =	sst s2  }
0x8f: {  	_ = 	snop  }
0x90: {  	s2 =	sld [smem:$0x3FD0];
	(tm) =	ssettm $0x1  }
0x91: {  	s18 =	sld [smem:$0x3FFB];
	_ =	sdelay $0x3  }
0x92: {  	_ =	strace s18  }
0x93: {  	s3 =	sld [smem:$0x3FFC];
	_ =	sdelay $0x3  }
0x94: {  	_ =	strace s3  }
0x95: {  	s3 =	sld [smem:$0x3FFD];
	_ =	sdelay $0x3  }
0x96: {  	_ =	strace s3  }
0x97: {  	_ =	strace $0x8FFFFFFF  }
0x98: {  	s19 =	sld [smem:$0x3FDB];
	_ =	sdelay $0x1  }
0x99: {  	s4 =	simm.s32 $_scs_section_size  }
0x9a: {  	s5 =	simm.s32 $_size__tile_overlayer_lowered;
	s6 =	simm.s32 $_tile_overlayer_lowered  }
0x9b: {  	s22 =	simm.s32 $0x1BFF;
	s21 =	sshll.u32 s6, $0x1;
	s3 =	sadd.s32 s4, s19  }
0x9c: {  	s7 =	simm.s32 $0x0;
	s20 =	sshll.u32 s5, $0x1;
	s5 =	sadd.s32 s21, s3  }
0x9d: {  	[timem:s7], [sflag:s22] =	dma.local [hbm:s5], s20  }
0x9e: {  	_ =	swait.ge [sflag:s22], s20  }
0x9f: {  	s4 =	ssub.s32 $0x0, s20;
	[sflag:s22] =	ssyncset.done $0x0  }
0xa0: {  	[sflag:s22] =	ssyncadd.s32 s4;
	_ =	sdelay $0x1  }
0xa1: {  	s23 =	simm.s32 $0x1B8B  }
0xa2: {  	_ =	swait.ge [sflag:s23], $0x1  }
0xa3: {  	[sflag:s23] =	ssyncset.done $0x0  }
0xa4: {  	s25 =	simm.s32 $0x1B8E;
	s24 =	sld [smem:$0x3FFE];
	[sflag:s23] =	ssyncadd.s32 $0xFFFFFFFF  }
0xa5: {  	s26 =	simm.s32 $execute0_lowered;
	[smem:$0x3FD2] =	sst s25  }
0xa6: {  	s5 =	sshll.u32 s26, $0x1;
	_ =	strace $0x80000049;
	[dreg:$0x1] =	wrdreg $0xFFFFFFFF  }
0xa7: {  	s28 =	simm.s32 $_size_execute0_lowered;
	s3 =	sadd.s32 s3, s5;
	[dreg:$0x0] =	wrdreg $0x0  }
0xa8: {  	s5 =	sshll.u32 s28, $0x1;
	[dreg:$0x2] =	wrdreg s3  }
0xa9: {  	[dreg:$0x3] =	wrdreg s5  }
0xaa: {  	[dreg:$0x4] =	wrdreg $0xC0  }
0xab: {  	_ =	task [dreg:s7], $0x5FFFF  }
0xac: {  	[dreg:$0x1] =	wrdreg $0xFFFFFFFF  }
0xad: {  	[dreg:$0x0] =	wrdreg $0x60  }
0xae: {  	[dreg:$0x2] =	wrdreg s2  }
0xaf: {  	[dreg:$0x3] =	wrdreg s24  }
0xb0: {  	[dreg:$0x4] =	wrdreg $0x0  }
0xb1: {  	[dreg:$0x5] =	wrdreg $0x9  }
0xb2: {  	_ =	task.clear_ibuf [dreg:s7], $0x6FFFF;
	_ =	strace $0x90000049  }
0xb3: {  	s29 =	simm.s32 $0x9;
	_ =	strace $0x8000004B  }
0xb4: {  	_ =	swait.ge [sflag:s29], $0x1  }
0xb5: {  	[sflag:s29] =	ssyncadd.s32 $0xFFFFFFFF  }
0xb6: {  	_ =	strace $0x9000004B  }
0xb7: {  	_ =	sfence  }
0xb8: {  	s30 =	sld [smem:$0x0];
	_ =	sdelay $0x2  }
0xb9: {  	s31 =	sshll.u32 s1, $0xD;
	s1 =	sshrl.u32 s1, $0x2  }
0xba: {  	s3 =	sand.u32 $0x4000, s31;
	s1 =	sadd.s32 s1, s30  }
0xbb: {  	s0 =	sor.u32 s3, s0;
	s1 =	sshll.u32 s1, $0x11  }
0xbc: {  	s0 =	sor.u32 s1, s0  }
0xbd: {  	s0 =	sadd.s32 $0x8F2B, s0  }
0xbe: {  	[sflag:s0] =	ssyncadd.remote.s32 $0x1  }
0xbf: {  	_ =	sfence.sel $0xFFFF  }
0xc0: {  	[dreg:$0x0] =	wrdreg $0xFFFFFFFF;
	(pc) =	sbr.abs _section_cstart, $3  }
0xc1: {  	[dreg:$0x1] =	wrdreg $0xFFFFFFFF  }
0xc2: {  	_ =	task.clear_ibuf [dreg:s7], $0x2FFFF;
	_ =	strace $0x9FFFFFFF  }
0xc3: {  	(tm) =	ssettm $0x7FFFFFFF  }
tec
execute0_lowered:
.L_overlay_start_1:
0x0: {  	(tag) =	ssettag $0x1  }
0x1: {  	s1 =	rddreg [dreg:$0x0]  }
0x2: {  	s0 =	rddreg [dreg:$0x1]  }
0x3: {  	s2 =	rddreg [dreg:$0x2];
	s3 =	simm.s32 $0x0  }
0x4: {  	s6 =	srdreg.scid;
	s8 =	stileid.u32;
	s28 =	simm.s32 $0x13880  }
0x5: {  	s29 =	simm.s32 $0x13900;
	s30 =	simm.s32 $0x16D80;
	s31 =	simm.s32 $0x16E00  }
0x6: {  	[smem:$0x7FF] =	sst s3;
	s4 =	sadd.s32 $0xB600, s0;
	s5 =	sadd.s32 $0x1800, s0  }
0x7: {  	s7 =	sadd.s32 $0x1F200, s0;
	s6 =	sand.u32 $0x1, s6;
	s10 =	smul.u32 $0x4E000, s8  }
0x8: {  	s23 =	sshll.u32 s8, $0x6;
	s25 =	sadd.s32 $0x138000, s2;
	s16 =	smul.u32 $0x2710, s8  }
0x9: {  	s19 =	smul.u32 $0x2700, s8;
	p0 =	sne.s32 s8, $0x0;
	_ =	strace $0x8000004A  }
0xa: {  	[dreg:$0x4] =	wrdreg s7;
	s22 =	smul.u32 $0x27100, s6;
	s9 =	sshll.u32 s6, $0x4  }
0xb: {  	s6 =	ssub.s32 $0x2, s6;
	s26 =	sor.u32 $0x1C0A, s23;
	[dreg:$0x7] =	wrdreg s25  }
0xc: {  	s9 =	sor.u32 s8, s9;
	s11 =	sshrl.u32 s6, $0x1;
	s10 =	sshrl.u32 s10, $0x2  }
0xd: {  	s8 =	simm.s32 $0xA;
	[dreg:$0x6] =	wrdreg s26;
	s0 =	sadd.s32 s22, s0  }
0xe: {  	s9 =	smul.u32 $0x2710, s9;
	s6 =	ssub.s32 s6, s11;
	s10 =	sadd.s32 s10, s2  }
0xf: {  	s7 =	sadd.s32 s16, s22;
	s11 =	simm.s32 $0x16E80;
	s16 =	simm.s32 $0x1A380  }
0x10: {  	[dreg:$0x5] =	wrdreg s10;
	s18 =	sadd.s32 $0x21A00, s0;
	s20 =	sadd.s32 $0x208, s7  }
0x11: {  	s6 =	smax.u32 s6, $0x1;
	s22 =	sadd.s32 $0x1A0, s7;
	s25 =	sadd.s32 $0x138, s7  }
0x12: {  	s7 =	simm.s32 $0x68;
	s24 =	sadd.s32 $0x68, s9;
	[dreg:$0x11] =	wrdreg s6  }
0x13: {  	s9 =	sshrl.u32 s9, $0x3;
	s21 =	sshrl.u32 s20, $0x3;
	[dreg:$0x13] =	wrdreg s25  }
0x14: {  	s20 =	smov.u32 s5;
	[dreg:$0x10] =	wrdreg s18;
	s0 =	sadd.s32 s19, s18  }
0x15: {  	s19 =	simm.s32 $0x7;
	s18 =	simm.s32 $0x3;
	s25 =	simm.s32 $0x8  }
0x16: {  	s6 =	simm.s32 $0x0;
	s10 =	sshrl.u32 s24, $0x3;
	s12 =	sadd.s32 s4, s9  }
0x17: {  	s13 =	sadd.s32 s5, s9;
	s15 =	sadd.s32 $0x1A, s9;
	[dreg:$0x14] =	wrdreg s0  }
0x18: {  	s9 =	sadd.s32 $0x4E0, s9;
	s23 =	sadd.s32 s21, s5;
	[dreg:$0x15] =	wrdreg s6  }
0x19: {  	s21 =	sadd.s32 s21, s4;
	s24 =	sshrl.u32 s22, $0x3;
	[dreg:$0x8] =	wrdreg s12  }
0x1a: {  	s0 =	simm.s32 $0x4;
	[dreg:$0x9] =	wrdreg s13;
	s14 =	sadd.s32 s4, s10  }
0x1b: {  	s10 =	sadd.s32 s5, s10;
	s12 =	sadd.s32 s4, s15;
	[dreg:$0x12] =	wrdreg s23  }
0x1c: {  	s17 =	sadd.s32 s4, s9;
	s9 =	sadd.s32 s5, s9;
	[dreg:$0xa] =	wrdreg s14  }
0x1d: {  	s22 =	sadd.s32 s24, s5;
	s23 =	sadd.s32 s24, s4;
	[dreg:$0xb] =	wrdreg s10  }
.Ltmp0:
0x1e: {  	s13 =	simm.s32 $0x1A300;
	[dreg:$0xc] =	wrdreg s12;
	(pc) =	sbr.rel .LBB2_1-.Ltmp0, $4  }
0x1f: {  	s24 =	simm.s32 $0x9;
	s10 =	sadd.s32 s5, s15;
	[dreg:$0xe] =	wrdreg s17  }
0x20: {  	[dreg:$0xf] =	wrdreg s9;
	s5 =	smov.u32 s4;
	s9 =	simm.s32 $0x13980  }
0x21: {  	s12 =	simm.s32 $0x1A280;
	s14 =	simm.s32 $0x1;
	s15 =	simm.s32 $0x6  }
0x22: {  	s17 =	simm.s32 $0x2;
	[dreg:$0xd] =	wrdreg s10;
	s10 =	simm.s32 $0x5  }
.LBB2_4:
0x23: {  	_ =	swait.ge [sflag:s18], $0x3400  }
0x24: {  	[sflag:s18] =	ssyncset.done $0x0  }
0x25: {  	[sflag:s18] =	ssyncadd.s32 $0xFFFFCC00  }
0x26: {  	[spmem:s2] =	stream.indirect.scatter.add.f32 [tilespmem:s16], [sflag:$0x9], $0x80, s13, s7, $0xb8;
	[tilespmem:$0x1E080] =	vst v63  }
0x27: {  	_ =	swait.ge [sflag:s25], $0x3400  }
0x28: {  	[sflag:s25] =	ssyncset.done $0x0  }
0x29: {  	[sflag:s25] =	ssyncadd.s32 $0xFFFFCC00  }
0x2a: {  	_ =	swait.ge [sflag:s24], $0x3400  }
0x2b: {  	s6 =	simm.s32 $0x1D780;
	[sflag:s24] =	ssyncset.done $0x0  }
0x2c: {  	s8 =	simm.s32 $0xA;
	s4 =	rddreg [dreg:$0xe];
	[sflag:s24] =	ssyncadd.s32 $0xFFFFCC00  }
0x2d: {  	[tilespmem:s6], [sflag:$0xA] =	stream.linear.gather [hbm4b:s4+s3], $0x10, $0x38;
	[tilespmem:$0x1E080] =	vst v63  }
0x2e: {  	_ =	swait.ge [sflag:s8], $0x10  }
0x2f: {  	[sflag:s8] =	ssyncset.done $0x0  }
0x30: {  	s26 =	simm.s32 $0x1D800;
	s6 =	rddreg [dreg:$0xf];
	[sflag:s8] =	ssyncadd.s32 $0xFFFFFFF0  }
0x31: {  	[tilespmem:s26], [sflag:$0xA] =	stream.linear.gather [hbm4b:s6+s3], $0x10, $0x38;
	[tilespmem:$0x1E080] =	vst v63  }
0x32: {  	_ =	swait.ge [sflag:s8], $0x10  }
0x33: {  	s4 =	simm.s32 $0x10;
	[sflag:s8] =	ssyncset.done $0x0  }
0x34: {  	s6 =	simm.s32 $0x1D880;
	s26 =	simm.s32 $0x1D780;
	[sflag:s8] =	ssyncadd.s32 $0xFFFFFFF0  }
0x35: {  	[tilespmem:s6], [sflag:$0x1] =	stream.indirect.gather [hbm4b:s1+s4], $0x80, s26, s4, $0xb8;
	[tilespmem:$0x1E080] =	vst v63  }
0x36: {  	_ =	swait.ge [sflag:s14], $0x800  }
0x37: {  	[sflag:s14] =	ssyncset.done $0x0  }
0x38: {  	s26 =	simm.s32 $0x1D800;
	[sflag:s14] =	ssyncadd.s32 $0xFFFFF800  }
0x39: {  	[spmem:s2] =	stream.indirect.scatter.add.f32 [tilespmem:s6], [sflag:$0xA], $0x80, s26, s4, $0xb8;
	[tilespmem:$0x1E080] =	vst v63  }
0x3a: {  	_ =	swait.ge [sflag:s8], $0x800  }
0x3b: {  	[sflag:s8] =	ssyncset.done $0x0  }
0x3c: {  	[sflag:s8] =	ssyncadd.s32 $0xFFFFF800  }
0x3d: {  	[bflag:$0x0] =	sbarrier.arrive $0xFFFF  }
0x3e: {  	s26 =	rddreg [dreg:$0x6]  }
0x3f: {  	s4 =	rddreg [dreg:$0x14]  }
0x40: {  	s6 =	rddreg [dreg:$0x16]  }
0x41: {  	[hbm:s4], [sflag:s26] =	dma.local [spmem:s6], $0x2700  }
0x42: {  	_ =	swait.ge [sflag:s8], $0x2700  }
0x43: {  	[sflag:s8] =	ssyncset.done $0x0;
	s4 =	rddreg [dreg:$0x10]  }
0x44: {  	s6 =	rddreg [dreg:$0x17];
	[sflag:s8] =	ssyncadd.s32 $0xFFFFD900;
	s4 =	sadd.s32 @!p0 $0x27000, s4  }
0x45: {  	[hbm:s4], [sflag:s26] =	dma.local @!p0 [spmem:s6], $0x100  }
0x46: {  	s6 =	simm.s32 @!p0 $0xA  }
0x47: {  	_ =	swait.ge @!p0 [sflag:s6], $0x100  }
0x48: {  	s4 =	rddreg [dreg:$0x15]  }
0x49: {  	[sflag:s6] =	ssyncset.done @!p0 $0x0;
	s6 =	rddreg [dreg:$0x11];
	s4 =	sadd.s32 $0x1, s4  }
0x4a: {  	p1 =	sne.s32 s4, s6  }
.Ltmp1:
0x4b: {  	_ = 	snop;
	(pc) =	sbr.rel @!p1 .LBB2_5-.Ltmp1, $3  }
0x4c: {  	_ =	sdelay $0x1  }
0x4d: {  	[dreg:$0x15] =	wrdreg s4;
	s4 =	simm.s32 @!p0 $0xA  }
0x4e: {  	[sflag:s4] =	ssyncadd.s32 @!p0 $0xFFFFFF00  }
.LBB2_1:
0x4f: {  	s4 =	rddreg [dreg:$0x5]  }
0x50: {  	s6 =	sshrl.u32 s4, $0x3;
	s4 =	rddreg [dreg:$0x4]  }
0x51: {  	[dreg:$0x16] =	wrdreg s6  }
0x52: {  	[spmem:s6], [sflag:s26] =	dma.local [hbm:s4], $0x2700  }
0x53: {  	_ =	swait.ge [sflag:s8], $0x2700  }
0x54: {  	s6 =	rddreg [dreg:$0x7]  }
0x55: {  	[sflag:s8] =	ssyncset.done $0x0;
	s6 =	sshrl.u32 @!p0 s6, $0x3  }
0x56: {  	[sflag:s8] =	ssyncadd.s32 $0xFFFFD900;
	s8 =	simm.s32 @!p0 $0xA;
	[dreg:$0x17] =	wrdreg s6  }
0x57: {  	[spmem:s6], [sflag:s26] =	dma.local @!p0 [hbm:s4], $0x100  }
0x58: {  	_ =	swait.ge @!p0 [sflag:s8], $0x100  }
0x59: {  	[sflag:s8] =	ssyncset.done @!p0 $0x0  }
0x5a: {  	[sflag:s8] =	ssyncadd.s32 @!p0 $0xFFFFFF00  }
0x5b: {  	[bflag:$0x0] =	sbarrier.arrive $0xFFFF  }
0x5c: {  	s6 =	rddreg [dreg:$0x8]  }
0x5d: {  	[tilespmem:s28], [sflag:$0x4] =	stream.linear.gather [hbm4b:s6+s3], $0x68, $0x38;
	[tilespmem:$0x1E080] =	vst v63  }
0x5e: {  	s8 =	rddreg [dreg:$0x9]  }
0x5f: {  	[tilespmem:s29], [sflag:$0x4] =	stream.linear.gather [hbm4b:s8+s3], $0x68, $0x38;
	[tilespmem:$0x1E080] =	vst v63  }
0x60: {  	s26 =	rddreg [dreg:$0xa]  }
0x61: {  	[tilespmem:s30], [sflag:$0x5] =	stream.linear.gather [hbm4b:s26+s3], $0x68, $0x38;
	[tilespmem:$0x1E080] =	vst v63  }
0x62: {  	s6 =	rddreg [dreg:$0xb]  }
0x63: {  	[tilespmem:s31], [sflag:$0x5] =	stream.linear.gather [hbm4b:s6+s3], $0x68, $0x38;
	[tilespmem:$0x1E080] =	vst v63  }
0x64: {  	_ =	swait.ge [sflag:s0], $0x68  }
0x65: {  	[sflag:s0] =	ssyncset.done $0x0  }
0x66: {  	[sflag:s0] =	ssyncadd.s32 $0xFFFFFF98  }
0x67: {  	_ =	swait.ge [sflag:s0], $0x68  }
0x68: {  	[sflag:s0] =	ssyncset.done $0x0  }
0x69: {  	[sflag:s0] =	ssyncadd.s32 $0xFFFFFF98  }
0x6a: {  	[tilespmem:s9], [sflag:$0x1] =	stream.indirect.gather [hbm4b:s1+s7], $0x80, s28, s7, $0xb8;
	[tilespmem:$0x1E080] =	vst v63  }
0x6b: {  	_ =	swait.ge [sflag:s10], $0x68  }
0x6c: {  	[sflag:s10] =	ssyncset.done $0x0  }
0x6d: {  	[sflag:s10] =	ssyncadd.s32 $0xFFFFFF98  }
0x6e: {  	_ =	swait.ge [sflag:s10], $0x68  }
0x6f: {  	[sflag:s10] =	ssyncset.done $0x0  }
0x70: {  	[sflag:s10] =	ssyncadd.s32 $0xFFFFFF98  }
0x71: {  	[tilespmem:s11], [sflag:$0x2] =	stream.indirect.gather [hbm4b:s1+s7], $0x80, s30, s7, $0xb8;
	[tilespmem:$0x1E080] =	vst v63  }
0x72: {  	s8 =	rddreg [dreg:$0xc]  }
0x73: {  	[tilespmem:s12], [sflag:$0x6] =	stream.linear.gather [hbm4b:s8+s3], $0x68, $0x38;
	[tilespmem:$0x1E080] =	vst v63  }
0x74: {  	s26 =	rddreg [dreg:$0xd]  }
0x75: {  	[tilespmem:s13], [sflag:$0x6] =	stream.linear.gather [hbm4b:s26+s3], $0x68, $0x38;
	[tilespmem:$0x1E080] =	vst v63  }
0x76: {  	s8 =	rddreg [dreg:$0x13];
	s26 =	simm.s32 $0x0  }
.LBB2_2:
0x77: {  	_ =	swait.ge [sflag:s14], $0x3400  }
0x78: {  	[sflag:s14] =	ssyncset.done $0x0  }
0x79: {  	[sflag:s14] =	ssyncadd.s32 $0xFFFFCC00  }
0x7a: {  	[spmem:s2] =	stream.indirect.scatter.add.f32 [tilespmem:s9], [sflag:$0x7], $0x80, s29, s7, $0xb8;
	[tilespmem:$0x1E080] =	vst v63  }
0x7b: {  	_ =	swait.ge [sflag:s15], $0x68  }
0x7c: {  	[sflag:s15] =	ssyncset.done $0x0  }
0x7d: {  	[sflag:s15] =	ssyncadd.s32 $0xFFFFFF98  }
0x7e: {  	_ =	swait.ge [sflag:s15], $0x68  }
0x7f: {  	[sflag:s15] =	ssyncset.done $0x0  }
0x80: {  	[sflag:s15] =	ssyncadd.s32 $0xFFFFFF98  }
0x81: {  	[tilespmem:s16], [sflag:$0x3] =	stream.indirect.gather [hbm4b:s1+s7], $0x80, s12, s7, $0xb8;
	[tilespmem:$0x1E080] =	vst v63  }
0x82: {  	_ =	swait.ge [sflag:s17], $0x3400  }
0x83: {  	p1 =	seq.s32 s26, $0x4B9;
	[sflag:s17] =	ssyncset.done $0x0  }
.Ltmp2:
0x84: {  	[sflag:s17] =	ssyncadd.s32 $0xFFFFCC00;
	(pc) =	sbr.rel @p1 .LBB2_4-.Ltmp2, $4  }
0x85: {  	[spmem:s2] =	stream.indirect.scatter.add.f32 [tilespmem:s11], [sflag:$0x8], $0x80, s31, s7, $0xb8;
	[tilespmem:$0x1E080] =	vst v63  }
0x86: {  	_ =	swait.ge [sflag:s19], $0x3400  }
0x87: {  	[sflag:s19] =	ssyncset.done $0x0  }
0x88: {  	[sflag:s19] =	ssyncadd.s32 $0xFFFFCC00  }
0x89: {  	s6 =	sshrl.u32 s8, $0x3  }
0x8a: {  	s4 =	sadd.s32 s5, s6  }
0x8b: {  	[tilespmem:s28], [sflag:$0x4] =	stream.linear.gather [hbm4b:s4+s3], $0x68, $0x38;
	[tilespmem:$0x1E080] =	vst v63  }
0x8c: {  	s6 =	sadd.s32 s20, s6  }
0x8d: {  	[tilespmem:s29], [sflag:$0x4] =	stream.linear.gather [hbm4b:s6+s3], $0x68, $0x38;
	[tilespmem:$0x1E080] =	vst v63  }
0x8e: {  	_ =	swait.ge [sflag:s18], $0x3400  }
0x8f: {  	[sflag:s18] =	ssyncset.done $0x0  }
0x90: {  	[sflag:s18] =	ssyncadd.s32 $0xFFFFCC00  }
0x91: {  	[spmem:s2] =	stream.indirect.scatter.add.f32 [tilespmem:s16], [sflag:$0x9], $0x80, s13, s7, $0xb8;
	[tilespmem:$0x1E080] =	vst v63  }
0x92: {  	_ =	swait.ge [sflag:s0], $0x68  }
0x93: {  	[sflag:s0] =	ssyncset.done $0x0  }
0x94: {  	[sflag:s0] =	ssyncadd.s32 $0xFFFFFF98  }
0x95: {  	_ =	swait.ge [sflag:s0], $0x68  }
0x96: {  	[sflag:s0] =	ssyncset.done $0x0  }
0x97: {  	[sflag:s0] =	ssyncadd.s32 $0xFFFFFF98  }
0x98: {  	[tilespmem:s9], [sflag:$0x1] =	stream.indirect.gather [hbm4b:s1+s7], $0x80, s28, s7, $0xb8;
	[tilespmem:$0x1E080] =	vst v63  }
0x99: {  	_ =	swait.ge [sflag:s25], $0x3400  }
0x9a: {  	[sflag:s25] =	ssyncset.done $0x0  }
0x9b: {  	s6 =	sadd.s32 s26, s23;
	[sflag:s25] =	ssyncadd.s32 $0xFFFFCC00  }
0x9c: {  	[tilespmem:s30], [sflag:$0x5] =	stream.linear.gather [hbm4b:s6+s3], $0x68, $0x38;
	[tilespmem:$0x1E080] =	vst v63  }
0x9d: {  	s6 =	sadd.s32 s26, s22  }
0x9e: {  	[tilespmem:s31], [sflag:$0x5] =	stream.linear.gather [hbm4b:s6+s3], $0x68, $0x38;
	[tilespmem:$0x1E080] =	vst v63  }
0x9f: {  	_ =	swait.ge [sflag:s10], $0x68  }
0xa0: {  	[sflag:s10] =	ssyncset.done $0x0  }
0xa1: {  	[sflag:s10] =	ssyncadd.s32 $0xFFFFFF98  }
0xa2: {  	_ =	swait.ge [sflag:s10], $0x68  }
0xa3: {  	[sflag:s10] =	ssyncset.done $0x0  }
0xa4: {  	[sflag:s10] =	ssyncadd.s32 $0xFFFFFF98  }
0xa5: {  	[tilespmem:s11], [sflag:$0x2] =	stream.indirect.gather [hbm4b:s1+s7], $0x80, s30, s7, $0xb8;
	[tilespmem:$0x1E080] =	vst v63  }
0xa6: {  	_ =	swait.ge [sflag:s24], $0x3400  }
0xa7: {  	[sflag:s24] =	ssyncset.done $0x0  }
.Ltmp3:
0xa8: {  	s6 =	sadd.s32 s26, s21;
	[sflag:s24] =	ssyncadd.s32 $0xFFFFCC00;
	(pc) =	sbr.rel .LBB2_2-.Ltmp3, $4  }
0xa9: {  	[tilespmem:s12], [sflag:$0x6] =	stream.linear.gather [hbm4b:s6+s3], $0x68, $0x38;
	[tilespmem:$0x1E080] =	vst v63  }
0xaa: {  	s6 =	rddreg [dreg:$0x12]  }
0xab: {  	s8 =	sadd.s32 $0x138, s8;
	s4 =	sadd.s32 s26, s6;
	s26 =	sadd.s32 $0x27, s26  }
0xac: {  	[tilespmem:s13], [sflag:$0x6] =	stream.linear.gather [hbm4b:s4+s3], $0x68, $0x38;
	[tilespmem:$0x1E080] =	vst v63  }
.LBB2_5:
0xad: {  	_ =	sfence.sel $0x180000  }
0xae: {  	[bflag:$0x0] =	sbarrier.arrive $0xFFFF  }
0xaf: {  	_ =	strace $0x9000004A  }
0xb0: {  	[bflag:$0x2] =	sbarrier.arrive $0xFFFF  }
0xb1: {  	s0 =	rddreg [dreg:$0x3]  }
0xb2: {  	s0 =	sadd.s32 @!p0 $0x100000, s0  }
0xb3: {  	[sflag:s0] =	ssyncadd.tile.s32 @!p0 $0x1;
	_ =	shalt  }
.Lfunc_end2:
_tile_overlayer_lowered:
.L_overlay_start_2:
0xb4: {  	(tag) =	ssettag $0x2  }
0xb5: {  	s0 =	rddreg [dreg:$0x0];
	s2 =	stileid.u32  }
0xb6: {  	s1 =	rddreg [dreg:$0x1];
	p0 =	sne.s32 s2, $0x0  }
0xb7: {  	s3 =	rddreg [dreg:$0x2];
	[bflag:$0x3] =	sbarrier.arrive $0xFFFF;
	s2 =	simm.s32 @!p0 $0x1C0A  }
0xb8: {  	[timem:s3], [sflag:s2] =	dma.local @!p0 [hbm:s0], s1  }
0xb9: {  	s0 =	simm.s32 @!p0 $0xA  }
0xba: {  	_ =	swait.ge @!p0 [sflag:s0], s1  }
0xbb: {  	s1 =	ssub.s32 @!p0 $0x0, s1;
	[sflag:s0] =	ssyncset.done @!p0 $0x0  }
0xbc: {  	[sflag:s0] =	ssyncadd.s32 @!p0 s1  }
0xbd: {  	[bflag:$0x3] =	sbarrier.arrive $0xFFFF  }
0xbe: {  	_ =	shalt  }

</sc_bundles>
